<compile_context>
chip_gen: v7x
topology: tpu7x:2x2x1
jax: 0.10.2.dev20260603
libtpu: 0.0.44.dev20260713+nightly
codegen_flags: <defaults>
</compile_context>

<pallas_src>
import jax
import jax.numpy as jnp
from jax import lax
from jax.experimental import pallas as pl
from jax.experimental.pallas import tpu as pltpu
from jax.experimental.pallas import tpu_sc as plsc

B, N, G, K = 16, 8192, 512, 32
L = 16
NW = 32
GPW = (B * G) // NW
UNROLL = 16
CAP = 512
CAPV = CAP // L
THRESH = CAP - UNROLL * L
NV = N // L



def _fps_body(x_ref, y_ref, z_ref, cidx_ref, cx_ref, cy_ref, cz_ref):
    X = x_ref[...]
    Y = y_ref[...]
    Z = z_ref[...]
    lane_n = jax.lax.broadcasted_iota(jnp.int32, (B, N), 1)
    lane_g = jax.lax.broadcasted_iota(jnp.int32, (B, G), 1)
    cidx_ref[...] = jnp.zeros((B, G), jnp.int32)
    cx_ref[...] = jnp.zeros((B, G), jnp.float32)
    cy_ref[...] = jnp.zeros((B, G), jnp.float32)
    cz_ref[...] = jnp.zeros((B, G), jnp.float32)

    def step(t, carry):
        D, far = carry
        sel = lane_n == far
        cx = jnp.sum(jnp.where(sel, X, 0.0), axis=1, keepdims=True)
        cy = jnp.sum(jnp.where(sel, Y, 0.0), axis=1, keepdims=True)
        cz = jnp.sum(jnp.where(sel, Z, 0.0), axis=1, keepdims=True)
        onehot = lane_g == t
        cidx_ref[...] = cidx_ref[...] + jnp.where(onehot, far, 0)
        cx_ref[...] = cx_ref[...] + jnp.where(onehot, cx, 0.0)
        cy_ref[...] = cy_ref[...] + jnp.where(onehot, cy, 0.0)
        cz_ref[...] = cz_ref[...] + jnp.where(onehot, cz, 0.0)
        dx = X - cx
        dy = Y - cy
        dz = Z - cz
        d = dx * dx + dy * dy + dz * dz
        D = jnp.minimum(D, d)
        m = jnp.max(D, axis=1, keepdims=True)
        cand = jnp.where(D == m, lane_n, N)
        far = jnp.min(cand, axis=1, keepdims=True).astype(jnp.int32)
        return D, far

    init = (
        jnp.full((B, N), 1e10, jnp.float32),
        jnp.zeros((B, 1), jnp.int32),
    )
    jax.lax.fori_loop(0, G, step, init)


def _fps(X, Y, Z):
    return pl.pallas_call(
        _fps_body,
        out_shape=[
            jax.ShapeDtypeStruct((B, G), jnp.int32),
            jax.ShapeDtypeStruct((B, G), jnp.float32),
            jax.ShapeDtypeStruct((B, G), jnp.float32),
            jax.ShapeDtypeStruct((B, G), jnp.float32),
        ],
    )(X, Y, Z)



def _splat_last(v):
    return lax.rev(v, (0,))[0]


def _merge2(ak, av, bk, bv):
    brk = lax.rev(bk, (0,))
    brv = lax.rev(bv, (0,))
    mm = ak <= brk
    lk = jnp.where(mm, ak, brk)
    lv = jnp.where(mm, av, brv)
    hk = jnp.where(mm, brk, ak)
    hv = jnp.where(mm, brv, av)
    s0k, s0v = plsc.sort_key_val(lk, lv)
    s1k, s1v = plsc.sort_key_val(hk, hv)
    return s0k, s0v, s1k, s1v


def _top32_of_list(cvals, cidxv, cnt):
    k0 = cvals[0:L]
    v0 = cidxv[0:L]
    k1 = cvals[L:2 * L]
    v1 = cidxv[L:2 * L]
    r0k, r0v = plsc.sort_key_val(k0, v0)
    r1k, r1v = plsc.sort_key_val(k1, v1)
    r0k, r0v, r1k, r1v = _merge2(r0k, r0v, r1k, r1v)

    nvregs = lax.div(cnt + (L - 1), L)

    def mstep(j, R):
        q0k, q0v, q1k, q1v = R
        ck = cvals[pl.ds(j * L, L)]
        cv = cidxv[pl.ds(j * L, L)]
        sk, sv = plsc.sort_key_val(ck, cv)
        srk = lax.rev(sk, (0,))
        srv = lax.rev(sv, (0,))
        mm = q1k <= srk
        lk = jnp.where(mm, q1k, srk)
        lv = jnp.where(mm, q1v, srv)
        ak, av = plsc.sort_key_val(lk, lv)
        return _merge2(q0k, q0v, ak, av)

    return lax.fori_loop(2, nvregs, mstep, (r0k, r0v, r1k, r1v))


def _knn_body(xh, yh, zh, cxh, cyh, czh, idxh, nbh,
              xv, yv, zv, cxv, cyv, czv, cvals, cidxv, io, nbx, nby, nbz):
    c = lax.axis_index("c")
    s = lax.axis_index("s")
    w = s * 2 + c
    b = s
    h = c

    pltpu.sync_copy(xh.at[pl.ds(b * N, N)], xv)
    pltpu.sync_copy(yh.at[pl.ds(b * N, N)], yv)
    pltpu.sync_copy(zh.at[pl.ds(b * N, N)], zv)
    cbase = b * G + h * GPW
    pltpu.sync_copy(cxh.at[pl.ds(cbase, GPW)], cxv.at[pl.ds(0, GPW)])
    pltpu.sync_copy(cyh.at[pl.ds(cbase, GPW)], cyv.at[pl.ds(0, GPW)])
    pltpu.sync_copy(czh.at[pl.ds(cbase, GPW)], czv.at[pl.ds(0, GPW)])

    iota = lax.iota(jnp.int32, L)
    infv = jnp.full((L,), jnp.inf, jnp.float32)

    def center_body(g, _unused):
        cx = cxv[pl.ds(g, L)][0]
        cy = cyv[pl.ds(g, L)][0]
        cz = czv[pl.ds(g, L)][0]

        for j in range(CAPV):
            cvals[j * L:(j + 1) * L] = infv

        def rebuild_inplace(args):
            Tv, cntv = args
            cnt = cntv[0]
            r0k, r0v, r1k, r1v = _top32_of_list(cvals, cidxv, cnt)
            cvals[0:L] = r0k
            cvals[L:2 * L] = r1k
            cidxv[0:L] = r0v
            cidxv[L:2 * L] = r1v

            def refill(j, _):
                cvals[pl.ds(j * L, L)] = infv
                return 0

            lax.fori_loop(2, CAPV, refill, 0)
            Tv = jnp.zeros((L,), jnp.float32) + _splat_last(r1k)
            return Tv, jnp.full((L,), 2 * L, jnp.int32)

        def stream_outer(ov, carry):
            Tv, cntv = carry
            ds = []
            ms = []
            for j in range(UNROLL):
                base = (ov * UNROLL + j) * L
                xs = xv[pl.ds(base, L)]
                ys = yv[pl.ds(base, L)]
                zs = zv[pl.ds(base, L)]
                dx = xs - cx
                dy = ys - cy
                dz = zs - cz
                d = dx * dx + dy * dy
                d = d + dz * dz
                ds.append(d)
                ms.append(d < Tv)
            pcs = [plsc.cumsum(m.astype(jnp.int32)) for m in ms]
            pcnts = [plsc.all_reduce_population_count(m) for m in ms]
            for j in range(UNROLL):
                base = (ov * UNROLL + j) * L
                dest = (pcs[j] - 1) + cntv
                plsc.store_scatter(cvals, [dest], ds[j], mask=ms[j])
                plsc.store_scatter(cidxv, [dest], iota + base, mask=ms[j])
                cntv = cntv + pcnts[j]
            return lax.cond(cntv[0] >= THRESH, rebuild_inplace,
                            lambda a: a, (Tv, cntv))

        Tv0 = jnp.full((L,), jnp.inf, jnp.float32)
        cnt0 = jnp.zeros((L,), jnp.int32)
        Tv, cntv = lax.fori_loop(0, NV // UNROLL, stream_outer,
                                 (Tv0, cnt0))

        r0k, r0v, r1k, r1v = _top32_of_list(cvals, cidxv, cntv[0])

        for vals, off in ((r0v, 0), (r1v, L)):
            px = plsc.load_gather(xv, [vals])
            py = plsc.load_gather(yv, [vals])
            pz = plsc.load_gather(zv, [vals])
            obase = g * K + off
            nbx[pl.ds(obase, L)] = px - cx
            nby[pl.ds(obase, L)] = py - cy
            nbz[pl.ds(obase, L)] = pz - cz
            io[pl.ds(obase, L)] = vals
        return 0

    lax.fori_loop(0, GPW, center_body, 0)

    BGK = B * G * K
    pltpu.sync_copy(io, idxh.at[pl.ds(w * (GPW * K), GPW * K)])
    pltpu.sync_copy(nbx, nbh.at[pl.ds(0 * BGK + w * (GPW * K), GPW * K)])
    pltpu.sync_copy(nby, nbh.at[pl.ds(1 * BGK + w * (GPW * K), GPW * K)])
    pltpu.sync_copy(nbz, nbh.at[pl.ds(2 * BGK + w * (GPW * K), GPW * K)])


def _sc_knn(X, Y, Z, cxs, cys, czs):
    mesh = plsc.VectorSubcoreMesh(core_axis_name="c", subcore_axis_name="s",
                                  num_cores=2, num_subcores=16)
    return pl.kernel(
        _knn_body,
        out_type=[
            jax.ShapeDtypeStruct((B * G * K,), jnp.int32),
            jax.ShapeDtypeStruct((3 * B * G * K,), jnp.float32),
        ],
        mesh=mesh,
        compiler_params=pltpu.CompilerParams(needs_layout_passes=False),
        scratch_types=[
            pltpu.VMEM((N,), jnp.float32),
            pltpu.VMEM((N,), jnp.float32),
            pltpu.VMEM((N,), jnp.float32),
            pltpu.VMEM((GPW + L,), jnp.float32),
            pltpu.VMEM((GPW + L,), jnp.float32),
            pltpu.VMEM((GPW + L,), jnp.float32),
            pltpu.VMEM((CAP,), jnp.float32),
            pltpu.VMEM((CAP,), jnp.int32),
            pltpu.VMEM((GPW * K,), jnp.int32),
            pltpu.VMEM((GPW * K,), jnp.float32),
            pltpu.VMEM((GPW * K,), jnp.float32),
            pltpu.VMEM((GPW * K,), jnp.float32),
        ],
    )(X, Y, Z, cxs, cys, czs)


def kernel(xyz):
    planes = jnp.transpose(xyz, (2, 0, 1))
    X, Y, Z = planes[0], planes[1], planes[2]
    cidx, cxs, cys, czs = _fps(X, Y, Z)
    center = jnp.stack([cxs, cys, czs], axis=-1)

    idx_flat, nb_planes = _sc_knn(
        X.reshape(-1), Y.reshape(-1), Z.reshape(-1),
        cxs.reshape(-1), cys.reshape(-1), czs.reshape(-1))
    idx = idx_flat.reshape(B, G, K)
    neighborhood = jnp.transpose(nb_planes.reshape(3, B, G, K), (1, 2, 3, 0))
    return (neighborhood, center, idx)

# --- scband reference (transcript-rebuilt; emitter-appended) ---
"""Pipeline reference for scband-group-30666066493657 (READ-ONLY COPY).

The authoritative reference and input builder live on the scoring server;
editing this copy changes nothing except your own understanding.
"""

import jax, jax.numpy as jnp
import numpy as np

NUM_GROUP = 512
GROUP_SIZE = 32


def index_points(points, idx):
    # points: (B, N, C); idx: (B, ...) -> (B, ..., C)
    B = points.shape[0]
    batch = jnp.arange(B).reshape((B,) + (1,) * (idx.ndim - 1))
    return points[batch, idx]


def fps(xyz, npoint):
    # Farthest Point Sampling. Deterministic start at index 0 (torch version
    # uses a random start; fixed here for reproducibility).
    B, N, _ = xyz.shape
    batch_idx = jnp.arange(B)
    distance0 = jnp.full((B, N), 1e10, dtype=xyz.dtype)
    farthest0 = jnp.zeros((B,), dtype=jnp.int32)

    def step(carry, _):
        distance, farthest = carry
        centroid = xyz[batch_idx, farthest][:, None, :]
        dist = jnp.sum((xyz - centroid) ** 2, axis=-1)
        distance = jnp.minimum(distance, dist)
        new_farthest = jnp.argmax(distance, axis=-1).astype(jnp.int32)
        return (distance, new_farthest), farthest

    (_, _), centroids = jax.lax.scan(step, (distance0, farthest0), None, length=npoint)
    return jnp.transpose(centroids)  # (B, npoint)


def knn(xyz, center, k):
    # cdist p=2: (B, G, N)
    diff = center[:, :, None, :] - xyz[:, None, :, :]
    dist = jnp.sqrt(jnp.sum(diff * diff, axis=-1))
    _, idx = jax.lax.top_k(-dist, k)  # smallest distances
    return idx


def setup_inputs(seed: int = 0):
    key = jax.random.key(seed)
    xyz = jax.random.normal(key, (16, 8192, 3), dtype=jnp.float32)
    return {"xyz": xyz}


def reference(xyz):
    center_idx = fps(xyz, NUM_GROUP)            # (B, G)
    center = index_points(xyz, center_idx)      # (B, G, 3)
    idx = knn(xyz, center, GROUP_SIZE)          # (B, G, K)
    neighborhood = index_points(xyz, idx)       # (B, G, K, 3)
    neighborhood = neighborhood - center[:, :, None, :]
    return (neighborhood, center, idx)

if __name__ == "__main__":
    import jax
    _d = setup_inputs()
    print(jax.jit(kernel)(*tuple(_d.values())))

</pallas_src>

<mosaic_0001>
#map = affine_map<(d0, d1) -> (0)>
module attributes {stable_mosaic.version = 14 : i64} {
  func.func @_knn_body(%arg0: i32, %arg1: i32, %arg2: memref<131072xf32, #tpu.memory_space<hbm>>, %arg3: memref<131072xf32, #tpu.memory_space<hbm>>, %arg4: memref<131072xf32, #tpu.memory_space<hbm>>, %arg5: memref<8192xf32, #tpu.memory_space<hbm>>, %arg6: memref<8192xf32, #tpu.memory_space<hbm>>, %arg7: memref<8192xf32, #tpu.memory_space<hbm>>, %arg8: memref<262144xi32, #tpu.memory_space<hbm>>, %arg9: memref<786432xf32, #tpu.memory_space<hbm>>, %arg10: memref<8192xf32, #tpu.memory_space<vmem>>, %arg11: memref<8192xf32, #tpu.memory_space<vmem>>, %arg12: memref<8192xf32, #tpu.memory_space<vmem>>, %arg13: memref<272xf32, #tpu.memory_space<vmem>>, %arg14: memref<272xf32, #tpu.memory_space<vmem>>, %arg15: memref<272xf32, #tpu.memory_space<vmem>>, %arg16: memref<512xf32, #tpu.memory_space<vmem>>, %arg17: memref<512xi32, #tpu.memory_space<vmem>>, %arg18: memref<8192xi32, #tpu.memory_space<vmem>>, %arg19: memref<8192xf32, #tpu.memory_space<vmem>>, %arg20: memref<8192xf32, #tpu.memory_space<vmem>>, %arg21: memref<8192xf32, #tpu.memory_space<vmem>>) attributes {dimension_semantics = [#tpu.dimension_semantics<core_parallel>, #tpu.dimension_semantics<subcore_parallel>], iteration_bounds = array<i64: 2, 16>, scalar_prefetch = 0 : i64, scratch_operands = 12 : i64, tpu.core_type = #tpu.core_type<sc_vector_subcore>, window_params = [{transform_indices = #map}, {transform_indices = #map}, {transform_indices = #map}, {transform_indices = #map}, {transform_indices = #map}, {transform_indices = #map}, {transform_indices = #map}, {transform_indices = #map}]} {
    %mul3A = arith.constant 2 : i32
    %mul3A_0 = arith.muli %arg1, %mul3A : i32
    %add3A = arith.addi %mul3A_0, %arg0 : i32
    %mul3A_1 = arith.constant 8192 : i32
    %mul3A_2 = arith.muli %arg1, %mul3A_1 : i32
    "tpu.region"() ({
      %run_scoped3A = tpu.sem_alloc : memref<!tpu.dma_semaphore, #tpu.memory_space<semaphore_mem>>
      %dma_start3A = tpu.memref_slice %arg2[%mul3A_2] : memref<131072xf32, #tpu.memory_space<hbm>> -> memref<8192xf32, #tpu.memory_space<hbm>>
      %dma_start3A_33 = tpu.memref_slice %arg2[%mul3A_2] : memref<131072xf32, #tpu.memory_space<hbm>> -> memref<8192xf32, #tpu.memory_space<hbm>>
      tpu.enqueue_dma source(%dma_start3A_33 : memref<8192xf32, #tpu.memory_space<hbm>>) target(%arg10 : memref<8192xf32, #tpu.memory_space<vmem>>) target_semaphore(%run_scoped3A : memref<!tpu.dma_semaphore, #tpu.memory_space<semaphore_mem>>)
      %dma_wait3A = tpu.memref_slice %arg2[%mul3A_2] : memref<131072xf32, #tpu.memory_space<hbm>> -> memref<8192xf32, #tpu.memory_space<hbm>>
      %dma_wait3A_34 = tpu.memref_slice %arg2[%mul3A_2] : memref<131072xf32, #tpu.memory_space<hbm>> -> memref<8192xf32, #tpu.memory_space<hbm>>
      tpu.wait_dma2 semaphore(%run_scoped3A : memref<!tpu.dma_semaphore, #tpu.memory_space<semaphore_mem>>) src(%dma_wait3A_34 : memref<8192xf32, #tpu.memory_space<hbm>>) dst(%arg10 : memref<8192xf32, #tpu.memory_space<vmem>>)
      tpu.yield
    }) : () -> ()
    %mul3A_3 = arith.constant 8192 : i32
    %mul3A_4 = arith.muli %arg1, %mul3A_3 : i32
    "tpu.region"() ({
      %run_scoped3A = tpu.sem_alloc : memref<!tpu.dma_semaphore, #tpu.memory_space<semaphore_mem>>
      %dma_start3A = tpu.memref_slice %arg3[%mul3A_4] : memref<131072xf32, #tpu.memory_space<hbm>> -> memref<8192xf32, #tpu.memory_space<hbm>>
      %dma_start3A_33 = tpu.memref_slice %arg3[%mul3A_4] : memref<131072xf32, #tpu.memory_space<hbm>> -> memref<8192xf32, #tpu.memory_space<hbm>>
      tpu.enqueue_dma source(%dma_start3A_33 : memref<8192xf32, #tpu.memory_space<hbm>>) target(%arg11 : memref<8192xf32, #tpu.memory_space<vmem>>) target_semaphore(%run_scoped3A : memref<!tpu.dma_semaphore, #tpu.memory_space<semaphore_mem>>)
      %dma_wait3A = tpu.memref_slice %arg3[%mul3A_4] : memref<131072xf32, #tpu.memory_space<hbm>> -> memref<8192xf32, #tpu.memory_space<hbm>>
      %dma_wait3A_34 = tpu.memref_slice %arg3[%mul3A_4] : memref<131072xf32, #tpu.memory_space<hbm>> -> memref<8192xf32, #tpu.memory_space<hbm>>
      tpu.wait_dma2 semaphore(%run_scoped3A : memref<!tpu.dma_semaphore, #tpu.memory_space<semaphore_mem>>) src(%dma_wait3A_34 : memref<8192xf32, #tpu.memory_space<hbm>>) dst(%arg11 : memref<8192xf32, #tpu.memory_space<vmem>>)
      tpu.yield
    }) : () -> ()
    %mul3A_5 = arith.constant 8192 : i32
    %mul3A_6 = arith.muli %arg1, %mul3A_5 : i32
    "tpu.region"() ({
      %run_scoped3A = tpu.sem_alloc : memref<!tpu.dma_semaphore, #tpu.memory_space<semaphore_mem>>
      %dma_start3A = tpu.memref_slice %arg4[%mul3A_6] : memref<131072xf32, #tpu.memory_space<hbm>> -> memref<8192xf32, #tpu.memory_space<hbm>>
      %dma_start3A_33 = tpu.memref_slice %arg4[%mul3A_6] : memref<131072xf32, #tpu.memory_space<hbm>> -> memref<8192xf32, #tpu.memory_space<hbm>>
      tpu.enqueue_dma source(%dma_start3A_33 : memref<8192xf32, #tpu.memory_space<hbm>>) target(%arg12 : memref<8192xf32, #tpu.memory_space<vmem>>) target_semaphore(%run_scoped3A : memref<!tpu.dma_semaphore, #tpu.memory_space<semaphore_mem>>)
      %dma_wait3A = tpu.memref_slice %arg4[%mul3A_6] : memref<131072xf32, #tpu.memory_space<hbm>> -> memref<8192xf32, #tpu.memory_space<hbm>>
      %dma_wait3A_34 = tpu.memref_slice %arg4[%mul3A_6] : memref<131072xf32, #tpu.memory_space<hbm>> -> memref<8192xf32, #tpu.memory_space<hbm>>
      tpu.wait_dma2 semaphore(%run_scoped3A : memref<!tpu.dma_semaphore, #tpu.memory_space<semaphore_mem>>) src(%dma_wait3A_34 : memref<8192xf32, #tpu.memory_space<hbm>>) dst(%arg12 : memref<8192xf32, #tpu.memory_space<vmem>>)
      tpu.yield
    }) : () -> ()
    %mul3A_7 = arith.constant 512 : i32
    %mul3A_8 = arith.muli %arg1, %mul3A_7 : i32
    %mul3A_9 = arith.constant 256 : i32
    %mul3A_10 = arith.muli %arg0, %mul3A_9 : i32
    %add3A_11 = arith.addi %mul3A_8, %mul3A_10 : i32
    "tpu.region"() ({
      %run_scoped3A = tpu.sem_alloc : memref<!tpu.dma_semaphore, #tpu.memory_space<semaphore_mem>>
      %dma_start3A = arith.constant 0 : i32
      %dma_start3A_33 = tpu.memref_slice %arg13[%dma_start3A] : memref<272xf32, #tpu.memory_space<vmem>> -> memref<256xf32, #tpu.memory_space<vmem>>
      %dma_start3A_34 = tpu.memref_slice %arg5[%add3A_11] : memref<8192xf32, #tpu.memory_space<hbm>> -> memref<256xf32, #tpu.memory_space<hbm>>
      %dma_start3A_35 = arith.constant 0 : i32
      %dma_start3A_36 = tpu.memref_slice %arg13[%dma_start3A_35] : memref<272xf32, #tpu.memory_space<vmem>> -> memref<256xf32, #tpu.memory_space<vmem>>
      %dma_start3A_37 = tpu.memref_slice %arg5[%add3A_11] : memref<8192xf32, #tpu.memory_space<hbm>> -> memref<256xf32, #tpu.memory_space<hbm>>
      tpu.enqueue_dma source(%dma_start3A_37 : memref<256xf32, #tpu.memory_space<hbm>>) target(%dma_start3A_36 : memref<256xf32, #tpu.memory_space<vmem>>) target_semaphore(%run_scoped3A : memref<!tpu.dma_semaphore, #tpu.memory_space<semaphore_mem>>)
      %dma_wait3A = arith.constant 0 : i32
      %dma_wait3A_38 = tpu.memref_slice %arg13[%dma_wait3A] : memref<272xf32, #tpu.memory_space<vmem>> -> memref<256xf32, #tpu.memory_space<vmem>>
      %dma_wait3A_39 = tpu.memref_slice %arg5[%add3A_11] : memref<8192xf32, #tpu.memory_space<hbm>> -> memref<256xf32, #tpu.memory_space<hbm>>
      %dma_wait3A_40 = arith.constant 0 : i32
      %dma_wait3A_41 = tpu.memref_slice %arg13[%dma_wait3A_40] : memref<272xf32, #tpu.memory_space<vmem>> -> memref<256xf32, #tpu.memory_space<vmem>>
      %dma_wait3A_42 = tpu.memref_slice %arg5[%add3A_11] : memref<8192xf32, #tpu.memory_space<hbm>> -> memref<256xf32, #tpu.memory_space<hbm>>
      tpu.wait_dma2 semaphore(%run_scoped3A : memref<!tpu.dma_semaphore, #tpu.memory_space<semaphore_mem>>) src(%dma_wait3A_42 : memref<256xf32, #tpu.memory_space<hbm>>) dst(%dma_wait3A_41 : memref<256xf32, #tpu.memory_space<vmem>>)
      tpu.yield
    }) : () -> ()
    "tpu.region"() ({
      %run_scoped3A = tpu.sem_alloc : memref<!tpu.dma_semaphore, #tpu.memory_space<semaphore_mem>>
      %dma_start3A = arith.constant 0 : i32
      %dma_start3A_33 = tpu.memref_slice %arg14[%dma_start3A] : memref<272xf32, #tpu.memory_space<vmem>> -> memref<256xf32, #tpu.memory_space<vmem>>
      %dma_start3A_34 = tpu.memref_slice %arg6[%add3A_11] : memref<8192xf32, #tpu.memory_space<hbm>> -> memref<256xf32, #tpu.memory_space<hbm>>
      %dma_start3A_35 = arith.constant 0 : i32
      %dma_start3A_36 = tpu.memref_slice %arg14[%dma_start3A_35] : memref<272xf32, #tpu.memory_space<vmem>> -> memref<256xf32, #tpu.memory_space<vmem>>
      %dma_start3A_37 = tpu.memref_slice %arg6[%add3A_11] : memref<8192xf32, #tpu.memory_space<hbm>> -> memref<256xf32, #tpu.memory_space<hbm>>
      tpu.enqueue_dma source(%dma_start3A_37 : memref<256xf32, #tpu.memory_space<hbm>>) target(%dma_start3A_36 : memref<256xf32, #tpu.memory_space<vmem>>) target_semaphore(%run_scoped3A : memref<!tpu.dma_semaphore, #tpu.memory_space<semaphore_mem>>)
      %dma_wait3A = arith.constant 0 : i32
      %dma_wait3A_38 = tpu.memref_slice %arg14[%dma_wait3A] : memref<272xf32, #tpu.memory_space<vmem>> -> memref<256xf32, #tpu.memory_space<vmem>>
      %dma_wait3A_39 = tpu.memref_slice %arg6[%add3A_11] : memref<8192xf32, #tpu.memory_space<hbm>> -> memref<256xf32, #tpu.memory_space<hbm>>
      %dma_wait3A_40 = arith.constant 0 : i32
      %dma_wait3A_41 = tpu.memref_slice %arg14[%dma_wait3A_40] : memref<272xf32, #tpu.memory_space<vmem>> -> memref<256xf32, #tpu.memory_space<vmem>>
      %dma_wait3A_42 = tpu.memref_slice %arg6[%add3A_11] : memref<8192xf32, #tpu.memory_space<hbm>> -> memref<256xf32, #tpu.memory_space<hbm>>
      tpu.wait_dma2 semaphore(%run_scoped3A : memref<!tpu.dma_semaphore, #tpu.memory_space<semaphore_mem>>) src(%dma_wait3A_42 : memref<256xf32, #tpu.memory_space<hbm>>) dst(%dma_wait3A_41 : memref<256xf32, #tpu.memory_space<vmem>>)
      tpu.yield
    }) : () -> ()
    "tpu.region"() ({
      %run_scoped3A = tpu.sem_alloc : memref<!tpu.dma_semaphore, #tpu.memory_space<semaphore_mem>>
      %dma_start3A = arith.constant 0 : i32
      %dma_start3A_33 = tpu.memref_slice %arg15[%dma_start3A] : memref<272xf32, #tpu.memory_space<vmem>> -> memref<256xf32, #tpu.memory_space<vmem>>
      %dma_start3A_34 = tpu.memref_slice %arg7[%add3A_11] : memref<8192xf32, #tpu.memory_space<hbm>> -> memref<256xf32, #tpu.memory_space<hbm>>
      %dma_start3A_35 = arith.constant 0 : i32
      %dma_start3A_36 = tpu.memref_slice %arg15[%dma_start3A_35] : memref<272xf32, #tpu.memory_space<vmem>> -> memref<256xf32, #tpu.memory_space<vmem>>
      %dma_start3A_37 = tpu.memref_slice %arg7[%add3A_11] : memref<8192xf32, #tpu.memory_space<hbm>> -> memref<256xf32, #tpu.memory_space<hbm>>
      tpu.enqueue_dma source(%dma_start3A_37 : memref<256xf32, #tpu.memory_space<hbm>>) target(%dma_start3A_36 : memref<256xf32, #tpu.memory_space<vmem>>) target_semaphore(%run_scoped3A : memref<!tpu.dma_semaphore, #tpu.memory_space<semaphore_mem>>)
      %dma_wait3A = arith.constant 0 : i32
      %dma_wait3A_38 = tpu.memref_slice %arg15[%dma_wait3A] : memref<272xf32, #tpu.memory_space<vmem>> -> memref<256xf32, #tpu.memory_space<vmem>>
      %dma_wait3A_39 = tpu.memref_slice %arg7[%add3A_11] : memref<8192xf32, #tpu.memory_space<hbm>> -> memref<256xf32, #tpu.memory_space<hbm>>
      %dma_wait3A_40 = arith.constant 0 : i32
      %dma_wait3A_41 = tpu.memref_slice %arg15[%dma_wait3A_40] : memref<272xf32, #tpu.memory_space<vmem>> -> memref<256xf32, #tpu.memory_space<vmem>>
      %dma_wait3A_42 = tpu.memref_slice %arg7[%add3A_11] : memref<8192xf32, #tpu.memory_space<hbm>> -> memref<256xf32, #tpu.memory_space<hbm>>
      tpu.wait_dma2 semaphore(%run_scoped3A : memref<!tpu.dma_semaphore, #tpu.memory_space<semaphore_mem>>) src(%dma_wait3A_42 : memref<256xf32, #tpu.memory_space<hbm>>) dst(%dma_wait3A_41 : memref<256xf32, #tpu.memory_space<vmem>>)
      tpu.yield
    }) : () -> ()
    %iota3A = tpu.iota {dimensions = array<i32: 0>} : vector<16xi32>
    %broadcast_in_dim3A = arith.constant 0x7F800000 : f32
    %broadcast_in_dim3A_12 = vector.broadcast %broadcast_in_dim3A : f32 to vector<16xf32>
    %scan3A = arith.constant 0 : i32
    %scan3A_13 = arith.constant 0 : i32
    %scan3A_14 = arith.constant 256 : i32
    %scan3A_15 = arith.addi %scan3A_13, %scan3A_14 : i32
    %scan3A_16 = arith.constant 1 : i32
    %scan3A_17 = scf.for %scan3A_33 = %scan3A_13 to %scan3A_15 step %scan3A_16 iter_args(%scan3A_34 = %scan3A) -> (i32)  : i32 {
      %get3A = arith.index_cast %scan3A_33 : i32 to index
      %get3A_35 = tpu.vector_load %arg13[%get3A] {strides = array<i32>} : memref<272xf32, #tpu.memory_space<vmem>>, vector<16xf32>,
      %slice3A = vector.extract_strided_slice %get3A_35 {offsets = [0], sizes = [1], strides = [1]} : vector<16xf32> to vector<1xf32>
      %squeeze3A = vector.extract %slice3A[0] : f32 from vector<1xf32>
      %get3A_36 = arith.index_cast %scan3A_33 : i32 to index
      %get3A_37 = tpu.vector_load %arg14[%get3A_36] {strides = array<i32>} : memref<272xf32, #tpu.memory_space<vmem>>, vector<16xf32>,
      %slice3A_38 = vector.extract_strided_slice %get3A_37 {offsets = [0], sizes = [1], strides = [1]} : vector<16xf32> to vector<1xf32>
      %squeeze3A_39 = vector.extract %slice3A_38[0] : f32 from vector<1xf32>
      %get3A_40 = arith.index_cast %scan3A_33 : i32 to index
      %get3A_41 = tpu.vector_load %arg15[%get3A_40] {strides = array<i32>} : memref<272xf32, #tpu.memory_space<vmem>>, vector<16xf32>,
      %slice3A_42 = vector.extract_strided_slice %get3A_41 {offsets = [0], sizes = [1], strides = [1]} : vector<16xf32> to vector<1xf32>
      %squeeze3A_43 = vector.extract %slice3A_42[0] : f32 from vector<1xf32>
      %swap3A = arith.constant 0 : index
      %swap3A_44 = tpu.vector_load %arg16[%swap3A] {strides = array<i32>} : memref<512xf32, #tpu.memory_space<vmem>>, vector<16xf32>,
      tpu.vector_store %arg16[%swap3A], %broadcast_in_dim3A_12 {strides = array<i32>} : memref<512xf32, #tpu.memory_space<vmem>>, vector<16xf32>,
      %swap3A_45 = arith.constant 16 : index
      %swap3A_46 = tpu.vector_load %arg16[%swap3A_45] {strides = array<i32>} : memref<512xf32, #tpu.memory_space<vmem>>, vector<16xf32>,
      tpu.vector_store %arg16[%swap3A_45], %broadcast_in_dim3A_12 {strides = array<i32>} : memref<512xf32, #tpu.memory_space<vmem>>, vector<16xf32>,
      %swap3A_47 = arith.constant 32 : index
      %swap3A_48 = tpu.vector_load %arg16[%swap3A_47] {strides = array<i32>} : memref<512xf32, #tpu.memory_space<vmem>>, vector<16xf32>,
      tpu.vector_store %arg16[%swap3A_47], %broadcast_in_dim3A_12 {strides = array<i32>} : memref<512xf32, #tpu.memory_space<vmem>>, vector<16xf32>,
      %swap3A_49 = arith.constant 48 : index
      %swap3A_50 = tpu.vector_load %arg16[%swap3A_49] {strides = array<i32>} : memref<512xf32, #tpu.memory_space<vmem>>, vector<16xf32>,
      tpu.vector_store %arg16[%swap3A_49], %broadcast_in_dim3A_12 {strides = array<i32>} : memref<512xf32, #tpu.memory_space<vmem>>, vector<16xf32>,
      %swap3A_51 = arith.constant 64 : index
      %swap3A_52 = tpu.vector_load %arg16[%swap3A_51] {strides = array<i32>} : memref<512xf32, #tpu.memory_space<vmem>>, vector<16xf32>,
      tpu.vector_store %arg16[%swap3A_51], %broadcast_in_dim3A_12 {strides = array<i32>} : memref<512xf32, #tpu.memory_space<vmem>>, vector<16xf32>,
      %swap3A_53 = arith.constant 80 : index
      %swap3A_54 = tpu.vector_load %arg16[%swap3A_53] {strides = array<i32>} : memref<512xf32, #tpu.memory_space<vmem>>, vector<16xf32>,
      tpu.vector_store %arg16[%swap3A_53], %broadcast_in_dim3A_12 {strides = array<i32>} : memref<512xf32, #tpu.memory_space<vmem>>, vector<16xf32>,
      %swap3A_55 = arith.constant 96 : index
      %swap3A_56 = tpu.vector_load %arg16[%swap3A_55] {strides = array<i32>} : memref<512xf32, #tpu.memory_space<vmem>>, vector<16xf32>,
      tpu.vector_store %arg16[%swap3A_55], %broadcast_in_dim3A_12 {strides = array<i32>} : memref<512xf32, #tpu.memory_space<vmem>>, vector<16xf32>,
      %swap3A_57 = arith.constant 112 : index
      %swap3A_58 = tpu.vector_load %arg16[%swap3A_57] {strides = array<i32>} : memref<512xf32, #tpu.memory_space<vmem>>, vector<16xf32>,
      tpu.vector_store %arg16[%swap3A_57], %broadcast_in_dim3A_12 {strides = array<i32>} : memref<512xf32, #tpu.memory_space<vmem>>, vector<16xf32>,
      %swap3A_59 = arith.constant 128 : index
      %swap3A_60 = tpu.vector_load %arg16[%swap3A_59] {strides = array<i32>} : memref<512xf32, #tpu.memory_space<vmem>>, vector<16xf32>,
      tpu.vector_store %arg16[%swap3A_59], %broadcast_in_dim3A_12 {strides = array<i32>} : memref<512xf32, #tpu.memory_space<vmem>>, vector<16xf32>,
      %swap3A_61 = arith.constant 144 : index
      %swap3A_62 = tpu.vector_load %arg16[%swap3A_61] {strides = array<i32>} : memref<512xf32, #tpu.memory_space<vmem>>, vector<16xf32>,
      tpu.vector_store %arg16[%swap3A_61], %broadcast_in_dim3A_12 {strides = array<i32>} : memref<512xf32, #tpu.memory_space<vmem>>, vector<16xf32>,
      %swap3A_63 = arith.constant 160 : index
      %swap3A_64 = tpu.vector_load %arg16[%swap3A_63] {strides = array<i32>} : memref<512xf32, #tpu.memory_space<vmem>>, vector<16xf32>,
      tpu.vector_store %arg16[%swap3A_63], %broadcast_in_dim3A_12 {strides = array<i32>} : memref<512xf32, #tpu.memory_space<vmem>>, vector<16xf32>,
      %swap3A_65 = arith.constant 176 : index
      %swap3A_66 = tpu.vector_load %arg16[%swap3A_65] {strides = array<i32>} : memref<512xf32, #tpu.memory_space<vmem>>, vector<16xf32>,
      tpu.vector_store %arg16[%swap3A_65], %broadcast_in_dim3A_12 {strides = array<i32>} : memref<512xf32, #tpu.memory_space<vmem>>, vector<16xf32>,
      %swap3A_67 = arith.constant 192 : index
      %swap3A_68 = tpu.vector_load %arg16[%swap3A_67] {strides = array<i32>} : memref<512xf32, #tpu.memory_space<vmem>>, vector<16xf32>,
      tpu.vector_store %arg16[%swap3A_67], %broadcast_in_dim3A_12 {strides = array<i32>} : memref<512xf32, #tpu.memory_space<vmem>>, vector<16xf32>,
      %swap3A_69 = arith.constant 208 : index
      %swap3A_70 = tpu.vector_load %arg16[%swap3A_69] {strides = array<i32>} : memref<512xf32, #tpu.memory_space<vmem>>, vector<16xf32>,
      tpu.vector_store %arg16[%swap3A_69], %broadcast_in_dim3A_12 {strides = array<i32>} : memref<512xf32, #tpu.memory_space<vmem>>, vector<16xf32>,
      %swap3A_71 = arith.constant 224 : index
      %swap3A_72 = tpu.vector_load %arg16[%swap3A_71] {strides = array<i32>} : memref<512xf32, #tpu.memory_space<vmem>>, vector<16xf32>,
      tpu.vector_store %arg16[%swap3A_71], %broadcast_in_dim3A_12 {strides = array<i32>} : memref<512xf32, #tpu.memory_space<vmem>>, vector<16xf32>,
      %swap3A_73 = arith.constant 240 : index
      %swap3A_74 = tpu.vector_load %arg16[%swap3A_73] {strides = array<i32>} : memref<512xf32, #tpu.memory_space<vmem>>, vector<16xf32>,
      tpu.vector_store %arg16[%swap3A_73], %broadcast_in_dim3A_12 {strides = array<i32>} : memref<512xf32, #tpu.memory_space<vmem>>, vector<16xf32>,
      %swap3A_75 = arith.constant 256 : index
      %swap3A_76 = tpu.vector_load %arg16[%swap3A_75] {strides = array<i32>} : memref<512xf32, #tpu.memory_space<vmem>>, vector<16xf32>,
      tpu.vector_store %arg16[%swap3A_75], %broadcast_in_dim3A_12 {strides = array<i32>} : memref<512xf32, #tpu.memory_space<vmem>>, vector<16xf32>,
      %swap3A_77 = arith.constant 272 : index
      %swap3A_78 = tpu.vector_load %arg16[%swap3A_77] {strides = array<i32>} : memref<512xf32, #tpu.memory_space<vmem>>, vector<16xf32>,
      tpu.vector_store %arg16[%swap3A_77], %broadcast_in_dim3A_12 {strides = array<i32>} : memref<512xf32, #tpu.memory_space<vmem>>, vector<16xf32>,
      %swap3A_79 = arith.constant 288 : index
      %swap3A_80 = tpu.vector_load %arg16[%swap3A_79] {strides = array<i32>} : memref<512xf32, #tpu.memory_space<vmem>>, vector<16xf32>,
      tpu.vector_store %arg16[%swap3A_79], %broadcast_in_dim3A_12 {strides = array<i32>} : memref<512xf32, #tpu.memory_space<vmem>>, vector<16xf32>,
      %swap3A_81 = arith.constant 304 : index
      %swap3A_82 = tpu.vector_load %arg16[%swap3A_81] {strides = array<i32>} : memref<512xf32, #tpu.memory_space<vmem>>, vector<16xf32>,
      tpu.vector_store %arg16[%swap3A_81], %broadcast_in_dim3A_12 {strides = array<i32>} : memref<512xf32, #tpu.memory_space<vmem>>, vector<16xf32>,
      %swap3A_83 = arith.constant 320 : index
      %swap3A_84 = tpu.vector_load %arg16[%swap3A_83] {strides = array<i32>} : memref<512xf32, #tpu.memory_space<vmem>>, vector<16xf32>,
      tpu.vector_store %arg16[%swap3A_83], %broadcast_in_dim3A_12 {strides = array<i32>} : memref<512xf32, #tpu.memory_space<vmem>>, vector<16xf32>,
      %swap3A_85 = arith.constant 336 : index
      %swap3A_86 = tpu.vector_load %arg16[%swap3A_85] {strides = array<i32>} : memref<512xf32, #tpu.memory_space<vmem>>, vector<16xf32>,
      tpu.vector_store %arg16[%swap3A_85], %broadcast_in_dim3A_12 {strides = array<i32>} : memref<512xf32, #tpu.memory_space<vmem>>, vector<16xf32>,
      %swap3A_87 = arith.constant 352 : index
      %swap3A_88 = tpu.vector_load %arg16[%swap3A_87] {strides = array<i32>} : memref<512xf32, #tpu.memory_space<vmem>>, vector<16xf32>,
      tpu.vector_store %arg16[%swap3A_87], %broadcast_in_dim3A_12 {strides = array<i32>} : memref<512xf32, #tpu.memory_space<vmem>>, vector<16xf32>,
      %swap3A_89 = arith.constant 368 : index
      %swap3A_90 = tpu.vector_load %arg16[%swap3A_89] {strides = array<i32>} : memref<512xf32, #tpu.memory_space<vmem>>, vector<16xf32>,
      tpu.vector_store %arg16[%swap3A_89], %broadcast_in_dim3A_12 {strides = array<i32>} : memref<512xf32, #tpu.memory_space<vmem>>, vector<16xf32>,
      %swap3A_91 = arith.constant 384 : index
      %swap3A_92 = tpu.vector_load %arg16[%swap3A_91] {strides = array<i32>} : memref<512xf32, #tpu.memory_space<vmem>>, vector<16xf32>,
      tpu.vector_store %arg16[%swap3A_91], %broadcast_in_dim3A_12 {strides = array<i32>} : memref<512xf32, #tpu.memory_space<vmem>>, vector<16xf32>,
      %swap3A_93 = arith.constant 400 : index
      %swap3A_94 = tpu.vector_load %arg16[%swap3A_93] {strides = array<i32>} : memref<512xf32, #tpu.memory_space<vmem>>, vector<16xf32>,
      tpu.vector_store %arg16[%swap3A_93], %broadcast_in_dim3A_12 {strides = array<i32>} : memref<512xf32, #tpu.memory_space<vmem>>, vector<16xf32>,
      %swap3A_95 = arith.constant 416 : index
      %swap3A_96 = tpu.vector_load %arg16[%swap3A_95] {strides = array<i32>} : memref<512xf32, #tpu.memory_space<vmem>>, vector<16xf32>,
      tpu.vector_store %arg16[%swap3A_95], %broadcast_in_dim3A_12 {strides = array<i32>} : memref<512xf32, #tpu.memory_space<vmem>>, vector<16xf32>,
      %swap3A_97 = arith.constant 432 : index
      %swap3A_98 = tpu.vector_load %arg16[%swap3A_97] {strides = array<i32>} : memref<512xf32, #tpu.memory_space<vmem>>, vector<16xf32>,
      tpu.vector_store %arg16[%swap3A_97], %broadcast_in_dim3A_12 {strides = array<i32>} : memref<512xf32, #tpu.memory_space<vmem>>, vector<16xf32>,
      %swap3A_99 = arith.constant 448 : index
      %swap3A_100 = tpu.vector_load %arg16[%swap3A_99] {strides = array<i32>} : memref<512xf32, #tpu.memory_space<vmem>>, vector<16xf32>,
      tpu.vector_store %arg16[%swap3A_99], %broadcast_in_dim3A_12 {strides = array<i32>} : memref<512xf32, #tpu.memory_space<vmem>>, vector<16xf32>,
      %swap3A_101 = arith.constant 464 : index
      %swap3A_102 = tpu.vector_load %arg16[%swap3A_101] {strides = array<i32>} : memref<512xf32, #tpu.memory_space<vmem>>, vector<16xf32>,
      tpu.vector_store %arg16[%swap3A_101], %broadcast_in_dim3A_12 {strides = array<i32>} : memref<512xf32, #tpu.memory_space<vmem>>, vector<16xf32>,
      %swap3A_103 = arith.constant 480 : index
      %swap3A_104 = tpu.vector_load %arg16[%swap3A_103] {strides = array<i32>} : memref<512xf32, #tpu.memory_space<vmem>>, vector<16xf32>,
      tpu.vector_store %arg16[%swap3A_103], %broadcast_in_dim3A_12 {strides = array<i32>} : memref<512xf32, #tpu.memory_space<vmem>>, vector<16xf32>,
      %swap3A_105 = arith.constant 496 : index
      %swap3A_106 = tpu.vector_load %arg16[%swap3A_105] {strides = array<i32>} : memref<512xf32, #tpu.memory_space<vmem>>, vector<16xf32>,
      tpu.vector_store %arg16[%swap3A_105], %broadcast_in_dim3A_12 {strides = array<i32>} : memref<512xf32, #tpu.memory_space<vmem>>, vector<16xf32>,
      %broadcast_in_dim3A_107 = arith.constant 0x7F800000 : f32
      %broadcast_in_dim3A_108 = vector.broadcast %broadcast_in_dim3A_107 : f32 to vector<16xf32>
      %broadcast_in_dim3A_109 = arith.constant 0 : i32
      %broadcast_in_dim3A_110 = vector.broadcast %broadcast_in_dim3A_109 : i32 to vector<16xi32>
      %scan3A_111 = arith.constant 0 : i32
      %scan3A_112 = arith.constant 32 : i32
      %scan3A_113 = arith.addi %scan3A_111, %scan3A_112 : i32
      %scan3A_114 = arith.constant 1 : i32
      %scan3A_115:2 = scf.for %scan3A_208 = %scan3A_111 to %scan3A_113 step %scan3A_114 iter_args(%scan3A_209 = %broadcast_in_dim3A_108, %scan3A_210 = %broadcast_in_dim3A_110) -> (vector<16xf32>, vector<16xi32>)  : i32 {
        %mul3A_211 = arith.constant 16 : i32
        %mul3A_212 = arith.muli %scan3A_208, %mul3A_211 : i32
        %add3A_213 = arith.constant 0 : i32
        %add3A_214 = arith.addi %mul3A_212, %add3A_213 : i32
        %mul3A_215 = arith.constant 16 : i32
        %mul3A_216 = arith.muli %add3A_214, %mul3A_215 : i32
        %get3A_217 = arith.index_cast %mul3A_216 : i32 to index
        %get3A_218 = tpu.vector_load %arg10[%get3A_217] {strides = array<i32>} : memref<8192xf32, #tpu.memory_space<vmem>>, vector<16xf32>,
        %get3A_219 = arith.index_cast %mul3A_216 : i32 to index
        %get3A_220 = tpu.vector_load %arg11[%get3A_219] {strides = array<i32>} : memref<8192xf32, #tpu.memory_space<vmem>>, vector<16xf32>,
        %get3A_221 = arith.index_cast %mul3A_216 : i32 to index
        %get3A_222 = tpu.vector_load %arg12[%get3A_221] {strides = array<i32>} : memref<8192xf32, #tpu.memory_space<vmem>>, vector<16xf32>,
        %sub3A_223 = vector.broadcast %squeeze3A : f32 to vector<16xf32>
        %sub3A_224 = arith.subf %get3A_218, %sub3A_223 : vector<16xf32>
        %sub3A_225 = vector.broadcast %squeeze3A_39 : f32 to vector<16xf32>
        %sub3A_226 = arith.subf %get3A_220, %sub3A_225 : vector<16xf32>
        %sub3A_227 = vector.broadcast %squeeze3A_43 : f32 to vector<16xf32>
        %sub3A_228 = arith.subf %get3A_222, %sub3A_227 : vector<16xf32>
        %mul3A_229 = arith.mulf %sub3A_224, %sub3A_224 : vector<16xf32>
        %mul3A_230 = arith.mulf %sub3A_226, %sub3A_226 : vector<16xf32>
        %add3A_231 = arith.addf %mul3A_229, %mul3A_230 : vector<16xf32>
        %mul3A_232 = arith.mulf %sub3A_228, %sub3A_228 : vector<16xf32>
        %add3A_233 = arith.addf %add3A_231, %mul3A_232 : vector<16xf32>
        %lt3A = arith.cmpf olt, %add3A_233, %scan3A_209 : vector<16xf32>
        %mul3A_234 = arith.constant 16 : i32
        %mul3A_235 = arith.muli %scan3A_208, %mul3A_234 : i32
        %add3A_236 = arith.constant 1 : i32
        %add3A_237 = arith.addi %mul3A_235, %add3A_236 : i32
        %mul3A_238 = arith.constant 16 : i32
        %mul3A_239 = arith.muli %add3A_237, %mul3A_238 : i32
        %get3A_240 = arith.index_cast %mul3A_239 : i32 to index
        %get3A_241 = tpu.vector_load %arg10[%get3A_240] {strides = array<i32>} : memref<8192xf32, #tpu.memory_space<vmem>>, vector<16xf32>,
        %get3A_242 = arith.index_cast %mul3A_239 : i32 to index
        %get3A_243 = tpu.vector_load %arg11[%get3A_242] {strides = array<i32>} : memref<8192xf32, #tpu.memory_space<vmem>>, vector<16xf32>,
        %get3A_244 = arith.index_cast %mul3A_239 : i32 to index
        %get3A_245 = tpu.vector_load %arg12[%get3A_244] {strides = array<i32>} : memref<8192xf32, #tpu.memory_space<vmem>>, vector<16xf32>,
        %sub3A_246 = vector.broadcast %squeeze3A : f32 to vector<16xf32>
        %sub3A_247 = arith.subf %get3A_241, %sub3A_246 : vector<16xf32>
        %sub3A_248 = vector.broadcast %squeeze3A_39 : f32 to vector<16xf32>
        %sub3A_249 = arith.subf %get3A_243, %sub3A_248 : vector<16xf32>
        %sub3A_250 = vector.broadcast %squeeze3A_43 : f32 to vector<16xf32>
        %sub3A_251 = arith.subf %get3A_245, %sub3A_250 : vector<16xf32>
        %mul3A_252 = arith.mulf %sub3A_247, %sub3A_247 : vector<16xf32>
        %mul3A_253 = arith.mulf %sub3A_249, %sub3A_249 : vector<16xf32>
        %add3A_254 = arith.addf %mul3A_252, %mul3A_253 : vector<16xf32>
        %mul3A_255 = arith.mulf %sub3A_251, %sub3A_251 : vector<16xf32>
        %add3A_256 = arith.addf %add3A_254, %mul3A_255 : vector<16xf32>
        %lt3A_257 = arith.cmpf olt, %add3A_256, %scan3A_209 : vector<16xf32>
        %mul3A_258 = arith.constant 16 : i32
        %mul3A_259 = arith.muli %scan3A_208, %mul3A_258 : i32
        %add3A_260 = arith.constant 2 : i32
        %add3A_261 = arith.addi %mul3A_259, %add3A_260 : i32
        %mul3A_262 = arith.constant 16 : i32
        %mul3A_263 = arith.muli %add3A_261, %mul3A_262 : i32
        %get3A_264 = arith.index_cast %mul3A_263 : i32 to index
        %get3A_265 = tpu.vector_load %arg10[%get3A_264] {strides = array<i32>} : memref<8192xf32, #tpu.memory_space<vmem>>, vector<16xf32>,
        %get3A_266 = arith.index_cast %mul3A_263 : i32 to index
        %get3A_267 = tpu.vector_load %arg11[%get3A_266] {strides = array<i32>} : memref<8192xf32, #tpu.memory_space<vmem>>, vector<16xf32>,
        %get3A_268 = arith.index_cast %mul3A_263 : i32 to index
        %get3A_269 = tpu.vector_load %arg12[%get3A_268] {strides = array<i32>} : memref<8192xf32, #tpu.memory_space<vmem>>, vector<16xf32>,
        %sub3A_270 = vector.broadcast %squeeze3A : f32 to vector<16xf32>
        %sub3A_271 = arith.subf %get3A_265, %sub3A_270 : vector<16xf32>
        %sub3A_272 = vector.broadcast %squeeze3A_39 : f32 to vector<16xf32>
        %sub3A_273 = arith.subf %get3A_267, %sub3A_272 : vector<16xf32>
        %sub3A_274 = vector.broadcast %squeeze3A_43 : f32 to vector<16xf32>
        %sub3A_275 = arith.subf %get3A_269, %sub3A_274 : vector<16xf32>
        %mul3A_276 = arith.mulf %sub3A_271, %sub3A_271 : vector<16xf32>
        %mul3A_277 = arith.mulf %sub3A_273, %sub3A_273 : vector<16xf32>
        %add3A_278 = arith.addf %mul3A_276, %mul3A_277 : vector<16xf32>
        %mul3A_279 = arith.mulf %sub3A_275, %sub3A_275 : vector<16xf32>
        %add3A_280 = arith.addf %add3A_278, %mul3A_279 : vector<16xf32>
        %lt3A_281 = arith.cmpf olt, %add3A_280, %scan3A_209 : vector<16xf32>
        %mul3A_282 = arith.constant 16 : i32
        %mul3A_283 = arith.muli %scan3A_208, %mul3A_282 : i32
        %add3A_284 = arith.constant 3 : i32
        %add3A_285 = arith.addi %mul3A_283, %add3A_284 : i32
        %mul3A_286 = arith.constant 16 : i32
        %mul3A_287 = arith.muli %add3A_285, %mul3A_286 : i32
        %get3A_288 = arith.index_cast %mul3A_287 : i32 to index
        %get3A_289 = tpu.vector_load %arg10[%get3A_288] {strides = array<i32>} : memref<8192xf32, #tpu.memory_space<vmem>>, vector<16xf32>,
        %get3A_290 = arith.index_cast %mul3A_287 : i32 to index
        %get3A_291 = tpu.vector_load %arg11[%get3A_290] {strides = array<i32>} : memref<8192xf32, #tpu.memory_space<vmem>>, vector<16xf32>,
        %get3A_292 = arith.index_cast %mul3A_287 : i32 to index
        %get3A_293 = tpu.vector_load %arg12[%get3A_292] {strides = array<i32>} : memref<8192xf32, #tpu.memory_space<vmem>>, vector<16xf32>,
        %sub3A_294 = vector.broadcast %squeeze3A : f32 to vector<16xf32>
        %sub3A_295 = arith.subf %get3A_289, %sub3A_294 : vector<16xf32>
        %sub3A_296 = vector.broadcast %squeeze3A_39 : f32 to vector<16xf32>
        %sub3A_297 = arith.subf %get3A_291, %sub3A_296 : vector<16xf32>
        %sub3A_298 = vector.broadcast %squeeze3A_43 : f32 to vector<16xf32>
        %sub3A_299 = arith.subf %get3A_293, %sub3A_298 : vector<16xf32>
        %mul3A_300 = arith.mulf %sub3A_295, %sub3A_295 : vector<16xf32>
        %mul3A_301 = arith.mulf %sub3A_297, %sub3A_297 : vector<16xf32>
        %add3A_302 = arith.addf %mul3A_300, %mul3A_301 : vector<16xf32>
        %mul3A_303 = arith.mulf %sub3A_299, %sub3A_299 : vector<16xf32>
        %add3A_304 = arith.addf %add3A_302, %mul3A_303 : vector<16xf32>
        %lt3A_305 = arith.cmpf olt, %add3A_304, %scan3A_209 : vector<16xf32>
        %mul3A_306 = arith.constant 16 : i32
        %mul3A_307 = arith.muli %scan3A_208, %mul3A_306 : i32
        %add3A_308 = arith.constant 4 : i32
        %add3A_309 = arith.addi %mul3A_307, %add3A_308 : i32
        %mul3A_310 = arith.constant 16 : i32
        %mul3A_311 = arith.muli %add3A_309, %mul3A_310 : i32
        %get3A_312 = arith.index_cast %mul3A_311 : i32 to index
        %get3A_313 = tpu.vector_load %arg10[%get3A_312] {strides = array<i32>} : memref<8192xf32, #tpu.memory_space<vmem>>, vector<16xf32>,
        %get3A_314 = arith.index_cast %mul3A_311 : i32 to index
        %get3A_315 = tpu.vector_load %arg11[%get3A_314] {strides = array<i32>} : memref<8192xf32, #tpu.memory_space<vmem>>, vector<16xf32>,
        %get3A_316 = arith.index_cast %mul3A_311 : i32 to index
        %get3A_317 = tpu.vector_load %arg12[%get3A_316] {strides = array<i32>} : memref<8192xf32, #tpu.memory_space<vmem>>, vector<16xf32>,
        %sub3A_318 = vector.broadcast %squeeze3A : f32 to vector<16xf32>
        %sub3A_319 = arith.subf %get3A_313, %sub3A_318 : vector<16xf32>
        %sub3A_320 = vector.broadcast %squeeze3A_39 : f32 to vector<16xf32>
        %sub3A_321 = arith.subf %get3A_315, %sub3A_320 : vector<16xf32>
        %sub3A_322 = vector.broadcast %squeeze3A_43 : f32 to vector<16xf32>
        %sub3A_323 = arith.subf %get3A_317, %sub3A_322 : vector<16xf32>
        %mul3A_324 = arith.mulf %sub3A_319, %sub3A_319 : vector<16xf32>
        %mul3A_325 = arith.mulf %sub3A_321, %sub3A_321 : vector<16xf32>
        %add3A_326 = arith.addf %mul3A_324, %mul3A_325 : vector<16xf32>
        %mul3A_327 = arith.mulf %sub3A_323, %sub3A_323 : vector<16xf32>
        %add3A_328 = arith.addf %add3A_326, %mul3A_327 : vector<16xf32>
        %lt3A_329 = arith.cmpf olt, %add3A_328, %scan3A_209 : vector<16xf32>
        %mul3A_330 = arith.constant 16 : i32
        %mul3A_331 = arith.muli %scan3A_208, %mul3A_330 : i32
        %add3A_332 = arith.constant 5 : i32
        %add3A_333 = arith.addi %mul3A_331, %add3A_332 : i32
        %mul3A_334 = arith.constant 16 : i32
        %mul3A_335 = arith.muli %add3A_333, %mul3A_334 : i32
        %get3A_336 = arith.index_cast %mul3A_335 : i32 to index
        %get3A_337 = tpu.vector_load %arg10[%get3A_336] {strides = array<i32>} : memref<8192xf32, #tpu.memory_space<vmem>>, vector<16xf32>,
        %get3A_338 = arith.index_cast %mul3A_335 : i32 to index
        %get3A_339 = tpu.vector_load %arg11[%get3A_338] {strides = array<i32>} : memref<8192xf32, #tpu.memory_space<vmem>>, vector<16xf32>,
        %get3A_340 = arith.index_cast %mul3A_335 : i32 to index
        %get3A_341 = tpu.vector_load %arg12[%get3A_340] {strides = array<i32>} : memref<8192xf32, #tpu.memory_space<vmem>>, vector<16xf32>,
        %sub3A_342 = vector.broadcast %squeeze3A : f32 to vector<16xf32>
        %sub3A_343 = arith.subf %get3A_337, %sub3A_342 : vector<16xf32>
        %sub3A_344 = vector.broadcast %squeeze3A_39 : f32 to vector<16xf32>
        %sub3A_345 = arith.subf %get3A_339, %sub3A_344 : vector<16xf32>
        %sub3A_346 = vector.broadcast %squeeze3A_43 : f32 to vector<16xf32>
        %sub3A_347 = arith.subf %get3A_341, %sub3A_346 : vector<16xf32>
        %mul3A_348 = arith.mulf %sub3A_343, %sub3A_343 : vector<16xf32>
        %mul3A_349 = arith.mulf %sub3A_345, %sub3A_345 : vector<16xf32>
        %add3A_350 = arith.addf %mul3A_348, %mul3A_349 : vector<16xf32>
        %mul3A_351 = arith.mulf %sub3A_347, %sub3A_347 : vector<16xf32>
        %add3A_352 = arith.addf %add3A_350, %mul3A_351 : vector<16xf32>
        %lt3A_353 = arith.cmpf olt, %add3A_352, %scan3A_209 : vector<16xf32>
        %mul3A_354 = arith.constant 16 : i32
        %mul3A_355 = arith.muli %scan3A_208, %mul3A_354 : i32
        %add3A_356 = arith.constant 6 : i32
        %add3A_357 = arith.addi %mul3A_355, %add3A_356 : i32
        %mul3A_358 = arith.constant 16 : i32
        %mul3A_359 = arith.muli %add3A_357, %mul3A_358 : i32
        %get3A_360 = arith.index_cast %mul3A_359 : i32 to index
        %get3A_361 = tpu.vector_load %arg10[%get3A_360] {strides = array<i32>} : memref<8192xf32, #tpu.memory_space<vmem>>, vector<16xf32>,
        %get3A_362 = arith.index_cast %mul3A_359 : i32 to index
        %get3A_363 = tpu.vector_load %arg11[%get3A_362] {strides = array<i32>} : memref<8192xf32, #tpu.memory_space<vmem>>, vector<16xf32>,
        %get3A_364 = arith.index_cast %mul3A_359 : i32 to index
        %get3A_365 = tpu.vector_load %arg12[%get3A_364] {strides = array<i32>} : memref<8192xf32, #tpu.memory_space<vmem>>, vector<16xf32>,
        %sub3A_366 = vector.broadcast %squeeze3A : f32 to vector<16xf32>
        %sub3A_367 = arith.subf %get3A_361, %sub3A_366 : vector<16xf32>
        %sub3A_368 = vector.broadcast %squeeze3A_39 : f32 to vector<16xf32>
        %sub3A_369 = arith.subf %get3A_363, %sub3A_368 : vector<16xf32>
        %sub3A_370 = vector.broadcast %squeeze3A_43 : f32 to vector<16xf32>
        %sub3A_371 = arith.subf %get3A_365, %sub3A_370 : vector<16xf32>
        %mul3A_372 = arith.mulf %sub3A_367, %sub3A_367 : vector<16xf32>
        %mul3A_373 = arith.mulf %sub3A_369, %sub3A_369 : vector<16xf32>
        %add3A_374 = arith.addf %mul3A_372, %mul3A_373 : vector<16xf32>
        %mul3A_375 = arith.mulf %sub3A_371, %sub3A_371 : vector<16xf32>
        %add3A_376 = arith.addf %add3A_374, %mul3A_375 : vector<16xf32>
        %lt3A_377 = arith.cmpf olt, %add3A_376, %scan3A_209 : vector<16xf32>
        %mul3A_378 = arith.constant 16 : i32
        %mul3A_379 = arith.muli %scan3A_208, %mul3A_378 : i32
        %add3A_380 = arith.constant 7 : i32
        %add3A_381 = arith.addi %mul3A_379, %add3A_380 : i32
        %mul3A_382 = arith.constant 16 : i32
        %mul3A_383 = arith.muli %add3A_381, %mul3A_382 : i32
        %get3A_384 = arith.index_cast %mul3A_383 : i32 to index
        %get3A_385 = tpu.vector_load %arg10[%get3A_384] {strides = array<i32>} : memref<8192xf32, #tpu.memory_space<vmem>>, vector<16xf32>,
        %get3A_386 = arith.index_cast %mul3A_383 : i32 to index
        %get3A_387 = tpu.vector_load %arg11[%get3A_386] {strides = array<i32>} : memref<8192xf32, #tpu.memory_space<vmem>>, vector<16xf32>,
        %get3A_388 = arith.index_cast %mul3A_383 : i32 to index
        %get3A_389 = tpu.vector_load %arg12[%get3A_388] {strides = array<i32>} : memref<8192xf32, #tpu.memory_space<vmem>>, vector<16xf32>,
        %sub3A_390 = vector.broadcast %squeeze3A : f32 to vector<16xf32>
        %sub3A_391 = arith.subf %get3A_385, %sub3A_390 : vector<16xf32>
        %sub3A_392 = vector.broadcast %squeeze3A_39 : f32 to vector<16xf32>
        %sub3A_393 = arith.subf %get3A_387, %sub3A_392 : vector<16xf32>
        %sub3A_394 = vector.broadcast %squeeze3A_43 : f32 to vector<16xf32>
        %sub3A_395 = arith.subf %get3A_389, %sub3A_394 : vector<16xf32>
        %mul3A_396 = arith.mulf %sub3A_391, %sub3A_391 : vector<16xf32>
        %mul3A_397 = arith.mulf %sub3A_393, %sub3A_393 : vector<16xf32>
        %add3A_398 = arith.addf %mul3A_396, %mul3A_397 : vector<16xf32>
        %mul3A_399 = arith.mulf %sub3A_395, %sub3A_395 : vector<16xf32>
        %add3A_400 = arith.addf %add3A_398, %mul3A_399 : vector<16xf32>
        %lt3A_401 = arith.cmpf olt, %add3A_400, %scan3A_209 : vector<16xf32>
        %mul3A_402 = arith.constant 16 : i32
        %mul3A_403 = arith.muli %scan3A_208, %mul3A_402 : i32
        %add3A_404 = arith.constant 8 : i32
        %add3A_405 = arith.addi %mul3A_403, %add3A_404 : i32
        %mul3A_406 = arith.constant 16 : i32
        %mul3A_407 = arith.muli %add3A_405, %mul3A_406 : i32
        %get3A_408 = arith.index_cast %mul3A_407 : i32 to index
        %get3A_409 = tpu.vector_load %arg10[%get3A_408] {strides = array<i32>} : memref<8192xf32, #tpu.memory_space<vmem>>, vector<16xf32>,
        %get3A_410 = arith.index_cast %mul3A_407 : i32 to index
        %get3A_411 = tpu.vector_load %arg11[%get3A_410] {strides = array<i32>} : memref<8192xf32, #tpu.memory_space<vmem>>, vector<16xf32>,
        %get3A_412 = arith.index_cast %mul3A_407 : i32 to index
        %get3A_413 = tpu.vector_load %arg12[%get3A_412] {strides = array<i32>} : memref<8192xf32, #tpu.memory_space<vmem>>, vector<16xf32>,
        %sub3A_414 = vector.broadcast %squeeze3A : f32 to vector<16xf32>
        %sub3A_415 = arith.subf %get3A_409, %sub3A_414 : vector<16xf32>
        %sub3A_416 = vector.broadcast %squeeze3A_39 : f32 to vector<16xf32>
        %sub3A_417 = arith.subf %get3A_411, %sub3A_416 : vector<16xf32>
        %sub3A_418 = vector.broadcast %squeeze3A_43 : f32 to vector<16xf32>
        %sub3A_419 = arith.subf %get3A_413, %sub3A_418 : vector<16xf32>
        %mul3A_420 = arith.mulf %sub3A_415, %sub3A_415 : vector<16xf32>
        %mul3A_421 = arith.mulf %sub3A_417, %sub3A_417 : vector<16xf32>
        %add3A_422 = arith.addf %mul3A_420, %mul3A_421 : vector<16xf32>
        %mul3A_423 = arith.mulf %sub3A_419, %sub3A_419 : vector<16xf32>
        %add3A_424 = arith.addf %add3A_422, %mul3A_423 : vector<16xf32>
        %lt3A_425 = arith.cmpf olt, %add3A_424, %scan3A_209 : vector<16xf32>
        %mul3A_426 = arith.constant 16 : i32
        %mul3A_427 = arith.muli %scan3A_208, %mul3A_426 : i32
        %add3A_428 = arith.constant 9 : i32
        %add3A_429 = arith.addi %mul3A_427, %add3A_428 : i32
        %mul3A_430 = arith.constant 16 : i32
        %mul3A_431 = arith.muli %add3A_429, %mul3A_430 : i32
        %get3A_432 = arith.index_cast %mul3A_431 : i32 to index
        %get3A_433 = tpu.vector_load %arg10[%get3A_432] {strides = array<i32>} : memref<8192xf32, #tpu.memory_space<vmem>>, vector<16xf32>,
        %get3A_434 = arith.index_cast %mul3A_431 : i32 to index
        %get3A_435 = tpu.vector_load %arg11[%get3A_434] {strides = array<i32>} : memref<8192xf32, #tpu.memory_space<vmem>>, vector<16xf32>,
        %get3A_436 = arith.index_cast %mul3A_431 : i32 to index
        %get3A_437 = tpu.vector_load %arg12[%get3A_436] {strides = array<i32>} : memref<8192xf32, #tpu.memory_space<vmem>>, vector<16xf32>,
        %sub3A_438 = vector.broadcast %squeeze3A : f32 to vector<16xf32>
        %sub3A_439 = arith.subf %get3A_433, %sub3A_438 : vector<16xf32>
        %sub3A_440 = vector.broadcast %squeeze3A_39 : f32 to vector<16xf32>
        %sub3A_441 = arith.subf %get3A_435, %sub3A_440 : vector<16xf32>
        %sub3A_442 = vector.broadcast %squeeze3A_43 : f32 to vector<16xf32>
        %sub3A_443 = arith.subf %get3A_437, %sub3A_442 : vector<16xf32>
        %mul3A_444 = arith.mulf %sub3A_439, %sub3A_439 : vector<16xf32>
        %mul3A_445 = arith.mulf %sub3A_441, %sub3A_441 : vector<16xf32>
        %add3A_446 = arith.addf %mul3A_444, %mul3A_445 : vector<16xf32>
        %mul3A_447 = arith.mulf %sub3A_443, %sub3A_443 : vector<16xf32>
        %add3A_448 = arith.addf %add3A_446, %mul3A_447 : vector<16xf32>
        %lt3A_449 = arith.cmpf olt, %add3A_448, %scan3A_209 : vector<16xf32>
        %mul3A_450 = arith.constant 16 : i32
        %mul3A_451 = arith.muli %scan3A_208, %mul3A_450 : i32
        %add3A_452 = arith.constant 10 : i32
        %add3A_453 = arith.addi %mul3A_451, %add3A_452 : i32
        %mul3A_454 = arith.constant 16 : i32
        %mul3A_455 = arith.muli %add3A_453, %mul3A_454 : i32
        %get3A_456 = arith.index_cast %mul3A_455 : i32 to index
        %get3A_457 = tpu.vector_load %arg10[%get3A_456] {strides = array<i32>} : memref<8192xf32, #tpu.memory_space<vmem>>, vector<16xf32>,
        %get3A_458 = arith.index_cast %mul3A_455 : i32 to index
        %get3A_459 = tpu.vector_load %arg11[%get3A_458] {strides = array<i32>} : memref<8192xf32, #tpu.memory_space<vmem>>, vector<16xf32>,
        %get3A_460 = arith.index_cast %mul3A_455 : i32 to index
        %get3A_461 = tpu.vector_load %arg12[%get3A_460] {strides = array<i32>} : memref<8192xf32, #tpu.memory_space<vmem>>, vector<16xf32>,
        %sub3A_462 = vector.broadcast %squeeze3A : f32 to vector<16xf32>
        %sub3A_463 = arith.subf %get3A_457, %sub3A_462 : vector<16xf32>
        %sub3A_464 = vector.broadcast %squeeze3A_39 : f32 to vector<16xf32>
        %sub3A_465 = arith.subf %get3A_459, %sub3A_464 : vector<16xf32>
        %sub3A_466 = vector.broadcast %squeeze3A_43 : f32 to vector<16xf32>
        %sub3A_467 = arith.subf %get3A_461, %sub3A_466 : vector<16xf32>
        %mul3A_468 = arith.mulf %sub3A_463, %sub3A_463 : vector<16xf32>
        %mul3A_469 = arith.mulf %sub3A_465, %sub3A_465 : vector<16xf32>
        %add3A_470 = arith.addf %mul3A_468, %mul3A_469 : vector<16xf32>
        %mul3A_471 = arith.mulf %sub3A_467, %sub3A_467 : vector<16xf32>
        %add3A_472 = arith.addf %add3A_470, %mul3A_471 : vector<16xf32>
        %lt3A_473 = arith.cmpf olt, %add3A_472, %scan3A_209 : vector<16xf32>
        %mul3A_474 = arith.constant 16 : i32
        %mul3A_475 = arith.muli %scan3A_208, %mul3A_474 : i32
        %add3A_476 = arith.constant 11 : i32
        %add3A_477 = arith.addi %mul3A_475, %add3A_476 : i32
        %mul3A_478 = arith.constant 16 : i32
        %mul3A_479 = arith.muli %add3A_477, %mul3A_478 : i32
        %get3A_480 = arith.index_cast %mul3A_479 : i32 to index
        %get3A_481 = tpu.vector_load %arg10[%get3A_480] {strides = array<i32>} : memref<8192xf32, #tpu.memory_space<vmem>>, vector<16xf32>,
        %get3A_482 = arith.index_cast %mul3A_479 : i32 to index
        %get3A_483 = tpu.vector_load %arg11[%get3A_482] {strides = array<i32>} : memref<8192xf32, #tpu.memory_space<vmem>>, vector<16xf32>,
        %get3A_484 = arith.index_cast %mul3A_479 : i32 to index
        %get3A_485 = tpu.vector_load %arg12[%get3A_484] {strides = array<i32>} : memref<8192xf32, #tpu.memory_space<vmem>>, vector<16xf32>,
        %sub3A_486 = vector.broadcast %squeeze3A : f32 to vector<16xf32>
        %sub3A_487 = arith.subf %get3A_481, %sub3A_486 : vector<16xf32>
        %sub3A_488 = vector.broadcast %squeeze3A_39 : f32 to vector<16xf32>
        %sub3A_489 = arith.subf %get3A_483, %sub3A_488 : vector<16xf32>
        %sub3A_490 = vector.broadcast %squeeze3A_43 : f32 to vector<16xf32>
        %sub3A_491 = arith.subf %get3A_485, %sub3A_490 : vector<16xf32>
        %mul3A_492 = arith.mulf %sub3A_487, %sub3A_487 : vector<16xf32>
        %mul3A_493 = arith.mulf %sub3A_489, %sub3A_489 : vector<16xf32>
        %add3A_494 = arith.addf %mul3A_492, %mul3A_493 : vector<16xf32>
        %mul3A_495 = arith.mulf %sub3A_491, %sub3A_491 : vector<16xf32>
        %add3A_496 = arith.addf %add3A_494, %mul3A_495 : vector<16xf32>
        %lt3A_497 = arith.cmpf olt, %add3A_496, %scan3A_209 : vector<16xf32>
        %mul3A_498 = arith.constant 16 : i32
        %mul3A_499 = arith.muli %scan3A_208, %mul3A_498 : i32
        %add3A_500 = arith.constant 12 : i32
        %add3A_501 = arith.addi %mul3A_499, %add3A_500 : i32
        %mul3A_502 = arith.constant 16 : i32
        %mul3A_503 = arith.muli %add3A_501, %mul3A_502 : i32
        %get3A_504 = arith.index_cast %mul3A_503 : i32 to index
        %get3A_505 = tpu.vector_load %arg10[%get3A_504] {strides = array<i32>} : memref<8192xf32, #tpu.memory_space<vmem>>, vector<16xf32>,
        %get3A_506 = arith.index_cast %mul3A_503 : i32 to index
        %get3A_507 = tpu.vector_load %arg11[%get3A_506] {strides = array<i32>} : memref<8192xf32, #tpu.memory_space<vmem>>, vector<16xf32>,
        %get3A_508 = arith.index_cast %mul3A_503 : i32 to index
        %get3A_509 = tpu.vector_load %arg12[%get3A_508] {strides = array<i32>} : memref<8192xf32, #tpu.memory_space<vmem>>, vector<16xf32>,
        %sub3A_510 = vector.broadcast %squeeze3A : f32 to vector<16xf32>
        %sub3A_511 = arith.subf %get3A_505, %sub3A_510 : vector<16xf32>
        %sub3A_512 = vector.broadcast %squeeze3A_39 : f32 to vector<16xf32>
        %sub3A_513 = arith.subf %get3A_507, %sub3A_512 : vector<16xf32>
        %sub3A_514 = vector.broadcast %squeeze3A_43 : f32 to vector<16xf32>
        %sub3A_515 = arith.subf %get3A_509, %sub3A_514 : vector<16xf32>
        %mul3A_516 = arith.mulf %sub3A_511, %sub3A_511 : vector<16xf32>
        %mul3A_517 = arith.mulf %sub3A_513, %sub3A_513 : vector<16xf32>
        %add3A_518 = arith.addf %mul3A_516, %mul3A_517 : vector<16xf32>
        %mul3A_519 = arith.mulf %sub3A_515, %sub3A_515 : vector<16xf32>
        %add3A_520 = arith.addf %add3A_518, %mul3A_519 : vector<16xf32>
        %lt3A_521 = arith.cmpf olt, %add3A_520, %scan3A_209 : vector<16xf32>
        %mul3A_522 = arith.constant 16 : i32
        %mul3A_523 = arith.muli %scan3A_208, %mul3A_522 : i32
        %add3A_524 = arith.constant 13 : i32
        %add3A_525 = arith.addi %mul3A_523, %add3A_524 : i32
        %mul3A_526 = arith.constant 16 : i32
        %mul3A_527 = arith.muli %add3A_525, %mul3A_526 : i32
        %get3A_528 = arith.index_cast %mul3A_527 : i32 to index
        %get3A_529 = tpu.vector_load %arg10[%get3A_528] {strides = array<i32>} : memref<8192xf32, #tpu.memory_space<vmem>>, vector<16xf32>,
        %get3A_530 = arith.index_cast %mul3A_527 : i32 to index
        %get3A_531 = tpu.vector_load %arg11[%get3A_530] {strides = array<i32>} : memref<8192xf32, #tpu.memory_space<vmem>>, vector<16xf32>,
        %get3A_532 = arith.index_cast %mul3A_527 : i32 to index
        %get3A_533 = tpu.vector_load %arg12[%get3A_532] {strides = array<i32>} : memref<8192xf32, #tpu.memory_space<vmem>>, vector<16xf32>,
        %sub3A_534 = vector.broadcast %squeeze3A : f32 to vector<16xf32>
        %sub3A_535 = arith.subf %get3A_529, %sub3A_534 : vector<16xf32>
        %sub3A_536 = vector.broadcast %squeeze3A_39 : f32 to vector<16xf32>
        %sub3A_537 = arith.subf %get3A_531, %sub3A_536 : vector<16xf32>
        %sub3A_538 = vector.broadcast %squeeze3A_43 : f32 to vector<16xf32>
        %sub3A_539 = arith.subf %get3A_533, %sub3A_538 : vector<16xf32>
        %mul3A_540 = arith.mulf %sub3A_535, %sub3A_535 : vector<16xf32>
        %mul3A_541 = arith.mulf %sub3A_537, %sub3A_537 : vector<16xf32>
        %add3A_542 = arith.addf %mul3A_540, %mul3A_541 : vector<16xf32>
        %mul3A_543 = arith.mulf %sub3A_539, %sub3A_539 : vector<16xf32>
        %add3A_544 = arith.addf %add3A_542, %mul3A_543 : vector<16xf32>
        %lt3A_545 = arith.cmpf olt, %add3A_544, %scan3A_209 : vector<16xf32>
        %mul3A_546 = arith.constant 16 : i32
        %mul3A_547 = arith.muli %scan3A_208, %mul3A_546 : i32
        %add3A_548 = arith.constant 14 : i32
        %add3A_549 = arith.addi %mul3A_547, %add3A_548 : i32
        %mul3A_550 = arith.constant 16 : i32
        %mul3A_551 = arith.muli %add3A_549, %mul3A_550 : i32
        %get3A_552 = arith.index_cast %mul3A_551 : i32 to index
        %get3A_553 = tpu.vector_load %arg10[%get3A_552] {strides = array<i32>} : memref<8192xf32, #tpu.memory_space<vmem>>, vector<16xf32>,
        %get3A_554 = arith.index_cast %mul3A_551 : i32 to index
        %get3A_555 = tpu.vector_load %arg11[%get3A_554] {strides = array<i32>} : memref<8192xf32, #tpu.memory_space<vmem>>, vector<16xf32>,
        %get3A_556 = arith.index_cast %mul3A_551 : i32 to index
        %get3A_557 = tpu.vector_load %arg12[%get3A_556] {strides = array<i32>} : memref<8192xf32, #tpu.memory_space<vmem>>, vector<16xf32>,
        %sub3A_558 = vector.broadcast %squeeze3A : f32 to vector<16xf32>
        %sub3A_559 = arith.subf %get3A_553, %sub3A_558 : vector<16xf32>
        %sub3A_560 = vector.broadcast %squeeze3A_39 : f32 to vector<16xf32>
        %sub3A_561 = arith.subf %get3A_555, %sub3A_560 : vector<16xf32>
        %sub3A_562 = vector.broadcast %squeeze3A_43 : f32 to vector<16xf32>
        %sub3A_563 = arith.subf %get3A_557, %sub3A_562 : vector<16xf32>
        %mul3A_564 = arith.mulf %sub3A_559, %sub3A_559 : vector<16xf32>
        %mul3A_565 = arith.mulf %sub3A_561, %sub3A_561 : vector<16xf32>
        %add3A_566 = arith.addf %mul3A_564, %mul3A_565 : vector<16xf32>
        %mul3A_567 = arith.mulf %sub3A_563, %sub3A_563 : vector<16xf32>
        %add3A_568 = arith.addf %add3A_566, %mul3A_567 : vector<16xf32>
        %lt3A_569 = arith.cmpf olt, %add3A_568, %scan3A_209 : vector<16xf32>
        %mul3A_570 = arith.constant 16 : i32
        %mul3A_571 = arith.muli %scan3A_208, %mul3A_570 : i32
        %add3A_572 = arith.constant 15 : i32
        %add3A_573 = arith.addi %mul3A_571, %add3A_572 : i32
        %mul3A_574 = arith.constant 16 : i32
        %mul3A_575 = arith.muli %add3A_573, %mul3A_574 : i32
        %get3A_576 = arith.index_cast %mul3A_575 : i32 to index
        %get3A_577 = tpu.vector_load %arg10[%get3A_576] {strides = array<i32>} : memref<8192xf32, #tpu.memory_space<vmem>>, vector<16xf32>,
        %get3A_578 = arith.index_cast %mul3A_575 : i32 to index
        %get3A_579 = tpu.vector_load %arg11[%get3A_578] {strides = array<i32>} : memref<8192xf32, #tpu.memory_space<vmem>>, vector<16xf32>,
        %get3A_580 = arith.index_cast %mul3A_575 : i32 to index
        %get3A_581 = tpu.vector_load %arg12[%get3A_580] {strides = array<i32>} : memref<8192xf32, #tpu.memory_space<vmem>>, vector<16xf32>,
        %sub3A_582 = vector.broadcast %squeeze3A : f32 to vector<16xf32>
        %sub3A_583 = arith.subf %get3A_577, %sub3A_582 : vector<16xf32>
        %sub3A_584 = vector.broadcast %squeeze3A_39 : f32 to vector<16xf32>
        %sub3A_585 = arith.subf %get3A_579, %sub3A_584 : vector<16xf32>
        %sub3A_586 = vector.broadcast %squeeze3A_43 : f32 to vector<16xf32>
        %sub3A_587 = arith.subf %get3A_581, %sub3A_586 : vector<16xf32>
        %mul3A_588 = arith.mulf %sub3A_583, %sub3A_583 : vector<16xf32>
        %mul3A_589 = arith.mulf %sub3A_585, %sub3A_585 : vector<16xf32>
        %add3A_590 = arith.addf %mul3A_588, %mul3A_589 : vector<16xf32>
        %mul3A_591 = arith.mulf %sub3A_587, %sub3A_587 : vector<16xf32>
        %add3A_592 = arith.addf %add3A_590, %mul3A_591 : vector<16xf32>
        %lt3A_593 = arith.cmpf olt, %add3A_592, %scan3A_209 : vector<16xf32>
        %convert_element_type3A = arith.extui %lt3A : vector<16xi1> to vector<16xi32>
        %broadcast_in_dim3A_594 = arith.constant true
        %broadcast_in_dim3A_595 = vector.broadcast %broadcast_in_dim3A_594 : i1 to vector<16xi1>
        %masked_cumsum3A = tpu.scan <sum>, %convert_element_type3A masked %broadcast_in_dim3A_595 : vector<16xi32>, vector<16xi1> -> vector<16xi32>
        %convert_element_type3A_596 = arith.extui %lt3A_257 : vector<16xi1> to vector<16xi32>
        %broadcast_in_dim3A_597 = arith.constant true
        %broadcast_in_dim3A_598 = vector.broadcast %broadcast_in_dim3A_597 : i1 to vector<16xi1>
        %masked_cumsum3A_599 = tpu.scan <sum>, %convert_element_type3A_596 masked %broadcast_in_dim3A_598 : vector<16xi32>, vector<16xi1> -> vector<16xi32>
        %convert_element_type3A_600 = arith.extui %lt3A_281 : vector<16xi1> to vector<16xi32>
        %broadcast_in_dim3A_601 = arith.constant true
        %broadcast_in_dim3A_602 = vector.broadcast %broadcast_in_dim3A_601 : i1 to vector<16xi1>
        %masked_cumsum3A_603 = tpu.scan <sum>, %convert_element_type3A_600 masked %broadcast_in_dim3A_602 : vector<16xi32>, vector<16xi1> -> vector<16xi32>
        %convert_element_type3A_604 = arith.extui %lt3A_305 : vector<16xi1> to vector<16xi32>
        %broadcast_in_dim3A_605 = arith.constant true
        %broadcast_in_dim3A_606 = vector.broadcast %broadcast_in_dim3A_605 : i1 to vector<16xi1>
        %masked_cumsum3A_607 = tpu.scan <sum>, %convert_element_type3A_604 masked %broadcast_in_dim3A_606 : vector<16xi32>, vector<16xi1> -> vector<16xi32>
        %convert_element_type3A_608 = arith.extui %lt3A_329 : vector<16xi1> to vector<16xi32>
        %broadcast_in_dim3A_609 = arith.constant true
        %broadcast_in_dim3A_610 = vector.broadcast %broadcast_in_dim3A_609 : i1 to vector<16xi1>
        %masked_cumsum3A_611 = tpu.scan <sum>, %convert_element_type3A_608 masked %broadcast_in_dim3A_610 : vector<16xi32>, vector<16xi1> -> vector<16xi32>
        %convert_element_type3A_612 = arith.extui %lt3A_353 : vector<16xi1> to vector<16xi32>
        %broadcast_in_dim3A_613 = arith.constant true
        %broadcast_in_dim3A_614 = vector.broadcast %broadcast_in_dim3A_613 : i1 to vector<16xi1>
        %masked_cumsum3A_615 = tpu.scan <sum>, %convert_element_type3A_612 masked %broadcast_in_dim3A_614 : vector<16xi32>, vector<16xi1> -> vector<16xi32>
        %convert_element_type3A_616 = arith.extui %lt3A_377 : vector<16xi1> to vector<16xi32>
        %broadcast_in_dim3A_617 = arith.constant true
        %broadcast_in_dim3A_618 = vector.broadcast %broadcast_in_dim3A_617 : i1 to vector<16xi1>
        %masked_cumsum3A_619 = tpu.scan <sum>, %convert_element_type3A_616 masked %broadcast_in_dim3A_618 : vector<16xi32>, vector<16xi1> -> vector<16xi32>
        %convert_element_type3A_620 = arith.extui %lt3A_401 : vector<16xi1> to vector<16xi32>
        %broadcast_in_dim3A_621 = arith.constant true
        %broadcast_in_dim3A_622 = vector.broadcast %broadcast_in_dim3A_621 : i1 to vector<16xi1>
        %masked_cumsum3A_623 = tpu.scan <sum>, %convert_element_type3A_620 masked %broadcast_in_dim3A_622 : vector<16xi32>, vector<16xi1> -> vector<16xi32>
        %convert_element_type3A_624 = arith.extui %lt3A_425 : vector<16xi1> to vector<16xi32>
        %broadcast_in_dim3A_625 = arith.constant true
        %broadcast_in_dim3A_626 = vector.broadcast %broadcast_in_dim3A_625 : i1 to vector<16xi1>
        %masked_cumsum3A_627 = tpu.scan <sum>, %convert_element_type3A_624 masked %broadcast_in_dim3A_626 : vector<16xi32>, vector<16xi1> -> vector<16xi32>
        %convert_element_type3A_628 = arith.extui %lt3A_449 : vector<16xi1> to vector<16xi32>
        %broadcast_in_dim3A_629 = arith.constant true
        %broadcast_in_dim3A_630 = vector.broadcast %broadcast_in_dim3A_629 : i1 to vector<16xi1>
        %masked_cumsum3A_631 = tpu.scan <sum>, %convert_element_type3A_628 masked %broadcast_in_dim3A_630 : vector<16xi32>, vector<16xi1> -> vector<16xi32>
        %convert_element_type3A_632 = arith.extui %lt3A_473 : vector<16xi1> to vector<16xi32>
        %broadcast_in_dim3A_633 = arith.constant true
        %broadcast_in_dim3A_634 = vector.broadcast %broadcast_in_dim3A_633 : i1 to vector<16xi1>
        %masked_cumsum3A_635 = tpu.scan <sum>, %convert_element_type3A_632 masked %broadcast_in_dim3A_634 : vector<16xi32>, vector<16xi1> -> vector<16xi32>
        %convert_element_type3A_636 = arith.extui %lt3A_497 : vector<16xi1> to vector<16xi32>
        %broadcast_in_dim3A_637 = arith.constant true
        %broadcast_in_dim3A_638 = vector.broadcast %broadcast_in_dim3A_637 : i1 to vector<16xi1>
        %masked_cumsum3A_639 = tpu.scan <sum>, %convert_element_type3A_636 masked %broadcast_in_dim3A_638 : vector<16xi32>, vector<16xi1> -> vector<16xi32>
        %convert_element_type3A_640 = arith.extui %lt3A_521 : vector<16xi1> to vector<16xi32>
        %broadcast_in_dim3A_641 = arith.constant true
        %broadcast_in_dim3A_642 = vector.broadcast %broadcast_in_dim3A_641 : i1 to vector<16xi1>
        %masked_cumsum3A_643 = tpu.scan <sum>, %convert_element_type3A_640 masked %broadcast_in_dim3A_642 : vector<16xi32>, vector<16xi1> -> vector<16xi32>
        %convert_element_type3A_644 = arith.extui %lt3A_545 : vector<16xi1> to vector<16xi32>
        %broadcast_in_dim3A_645 = arith.constant true
        %broadcast_in_dim3A_646 = vector.broadcast %broadcast_in_dim3A_645 : i1 to vector<16xi1>
        %masked_cumsum3A_647 = tpu.scan <sum>, %convert_element_type3A_644 masked %broadcast_in_dim3A_646 : vector<16xi32>, vector<16xi1> -> vector<16xi32>
        %convert_element_type3A_648 = arith.extui %lt3A_569 : vector<16xi1> to vector<16xi32>
        %broadcast_in_dim3A_649 = arith.constant true
        %broadcast_in_dim3A_650 = vector.broadcast %broadcast_in_dim3A_649 : i1 to vector<16xi1>
        %masked_cumsum3A_651 = tpu.scan <sum>, %convert_element_type3A_648 masked %broadcast_in_dim3A_650 : vector<16xi32>, vector<16xi1> -> vector<16xi32>
        %convert_element_type3A_652 = arith.extui %lt3A_593 : vector<16xi1> to vector<16xi32>
        %broadcast_in_dim3A_653 = arith.constant true
        %broadcast_in_dim3A_654 = vector.broadcast %broadcast_in_dim3A_653 : i1 to vector<16xi1>
        %masked_cumsum3A_655 = tpu.scan <sum>, %convert_element_type3A_652 masked %broadcast_in_dim3A_654 : vector<16xi32>, vector<16xi1> -> vector<16xi32>
        %all_reduce_population_count3A = tpu.all_reduce %lt3A {dim = 0 : i64, kind = #tpu.reduction_kind<sum>} : vector<16xi1> -> vector<16xi32>
        %all_reduce_population_count3A_656 = tpu.all_reduce %lt3A_257 {dim = 0 : i64, kind = #tpu.reduction_kind<sum>} : vector<16xi1> -> vector<16xi32>
        %all_reduce_population_count3A_657 = tpu.all_reduce %lt3A_281 {dim = 0 : i64, kind = #tpu.reduction_kind<sum>} : vector<16xi1> -> vector<16xi32>
        %all_reduce_population_count3A_658 = tpu.all_reduce %lt3A_305 {dim = 0 : i64, kind = #tpu.reduction_kind<sum>} : vector<16xi1> -> vector<16xi32>
        %all_reduce_population_count3A_659 = tpu.all_reduce %lt3A_329 {dim = 0 : i64, kind = #tpu.reduction_kind<sum>} : vector<16xi1> -> vector<16xi32>
        %all_reduce_population_count3A_660 = tpu.all_reduce %lt3A_353 {dim = 0 : i64, kind = #tpu.reduction_kind<sum>} : vector<16xi1> -> vector<16xi32>
        %all_reduce_population_count3A_661 = tpu.all_reduce %lt3A_377 {dim = 0 : i64, kind = #tpu.reduction_kind<sum>} : vector<16xi1> -> vector<16xi32>
        %all_reduce_population_count3A_662 = tpu.all_reduce %lt3A_401 {dim = 0 : i64, kind = #tpu.reduction_kind<sum>} : vector<16xi1> -> vector<16xi32>
        %all_reduce_population_count3A_663 = tpu.all_reduce %lt3A_425 {dim = 0 : i64, kind = #tpu.reduction_kind<sum>} : vector<16xi1> -> vector<16xi32>
        %all_reduce_population_count3A_664 = tpu.all_reduce %lt3A_449 {dim = 0 : i64, kind = #tpu.reduction_kind<sum>} : vector<16xi1> -> vector<16xi32>
        %all_reduce_population_count3A_665 = tpu.all_reduce %lt3A_473 {dim = 0 : i64, kind = #tpu.reduction_kind<sum>} : vector<16xi1> -> vector<16xi32>
        %all_reduce_population_count3A_666 = tpu.all_reduce %lt3A_497 {dim = 0 : i64, kind = #tpu.reduction_kind<sum>} : vector<16xi1> -> vector<16xi32>
        %all_reduce_population_count3A_667 = tpu.all_reduce %lt3A_521 {dim = 0 : i64, kind = #tpu.reduction_kind<sum>} : vector<16xi1> -> vector<16xi32>
        %all_reduce_population_count3A_668 = tpu.all_reduce %lt3A_545 {dim = 0 : i64, kind = #tpu.reduction_kind<sum>} : vector<16xi1> -> vector<16xi32>
        %all_reduce_population_count3A_669 = tpu.all_reduce %lt3A_569 {dim = 0 : i64, kind = #tpu.reduction_kind<sum>} : vector<16xi1> -> vector<16xi32>
        %all_reduce_population_count3A_670 = tpu.all_reduce %lt3A_593 {dim = 0 : i64, kind = #tpu.reduction_kind<sum>} : vector<16xi1> -> vector<16xi32>
        %mul3A_671 = arith.constant 16 : i32
        %mul3A_672 = arith.muli %scan3A_208, %mul3A_671 : i32
        %add3A_673 = arith.constant 0 : i32
        %add3A_674 = arith.addi %mul3A_672, %add3A_673 : i32
        %mul3A_675 = arith.constant 16 : i32
        %mul3A_676 = arith.muli %add3A_674, %mul3A_675 : i32
        %sub3A_677 = arith.constant 1 : i32
        %sub3A_678 = vector.broadcast %sub3A_677 : i32 to vector<16xi32>
        %sub3A_679 = arith.subi %masked_cumsum3A, %sub3A_678 : vector<16xi32>
        %add3A_680 = arith.addi %sub3A_679, %scan3A_210 : vector<16xi32>
        tpu.vector_store_idx %arg16[%add3A_680], %add3A_233 masked %lt3A : memref<512xf32, #tpu.memory_space<vmem>>[vector<16xi32>], vector<16xf32>, vector<16xi1>
        %add3A_681 = vector.broadcast %mul3A_676 : i32 to vector<16xi32>
        %add3A_682 = arith.addi %iota3A, %add3A_681 : vector<16xi32>
        tpu.vector_store_idx %arg17[%add3A_680], %add3A_682 masked %lt3A : memref<512xi32, #tpu.memory_space<vmem>>[vector<16xi32>], vector<16xi32>, vector<16xi1>
        %add3A_683 = arith.addi %scan3A_210, %all_reduce_population_count3A : vector<16xi32>
        %mul3A_684 = arith.constant 16 : i32
        %mul3A_685 = arith.muli %scan3A_208, %mul3A_684 : i32
        %add3A_686 = arith.constant 1 : i32
        %add3A_687 = arith.addi %mul3A_685, %add3A_686 : i32
        %mul3A_688 = arith.constant 16 : i32
        %mul3A_689 = arith.muli %add3A_687, %mul3A_688 : i32
        %sub3A_690 = arith.constant 1 : i32
        %sub3A_691 = vector.broadcast %sub3A_690 : i32 to vector<16xi32>
        %sub3A_692 = arith.subi %masked_cumsum3A_599, %sub3A_691 : vector<16xi32>
        %add3A_693 = arith.addi %sub3A_692, %add3A_683 : vector<16xi32>
        tpu.vector_store_idx %arg16[%add3A_693], %add3A_256 masked %lt3A_257 : memref<512xf32, #tpu.memory_space<vmem>>[vector<16xi32>], vector<16xf32>, vector<16xi1>
        %add3A_694 = vector.broadcast %mul3A_689 : i32 to vector<16xi32>
        %add3A_695 = arith.addi %iota3A, %add3A_694 : vector<16xi32>
        tpu.vector_store_idx %arg17[%add3A_693], %add3A_695 masked %lt3A_257 : memref<512xi32, #tpu.memory_space<vmem>>[vector<16xi32>], vector<16xi32>, vector<16xi1>
        %add3A_696 = arith.addi %add3A_683, %all_reduce_population_count3A_656 : vector<16xi32>
        %mul3A_697 = arith.constant 16 : i32
        %mul3A_698 = arith.muli %scan3A_208, %mul3A_697 : i32
        %add3A_699 = arith.constant 2 : i32
        %add3A_700 = arith.addi %mul3A_698, %add3A_699 : i32
        %mul3A_701 = arith.constant 16 : i32
        %mul3A_702 = arith.muli %add3A_700, %mul3A_701 : i32
        %sub3A_703 = arith.constant 1 : i32
        %sub3A_704 = vector.broadcast %sub3A_703 : i32 to vector<16xi32>
        %sub3A_705 = arith.subi %masked_cumsum3A_603, %sub3A_704 : vector<16xi32>
        %add3A_706 = arith.addi %sub3A_705, %add3A_696 : vector<16xi32>
        tpu.vector_store_idx %arg16[%add3A_706], %add3A_280 masked %lt3A_281 : memref<512xf32, #tpu.memory_space<vmem>>[vector<16xi32>], vector<16xf32>, vector<16xi1>
        %add3A_707 = vector.broadcast %mul3A_702 : i32 to vector<16xi32>
        %add3A_708 = arith.addi %iota3A, %add3A_707 : vector<16xi32>
        tpu.vector_store_idx %arg17[%add3A_706], %add3A_708 masked %lt3A_281 : memref<512xi32, #tpu.memory_space<vmem>>[vector<16xi32>], vector<16xi32>, vector<16xi1>
        %add3A_709 = arith.addi %add3A_696, %all_reduce_population_count3A_657 : vector<16xi32>
        %mul3A_710 = arith.constant 16 : i32
        %mul3A_711 = arith.muli %scan3A_208, %mul3A_710 : i32
        %add3A_712 = arith.constant 3 : i32
        %add3A_713 = arith.addi %mul3A_711, %add3A_712 : i32
        %mul3A_714 = arith.constant 16 : i32
        %mul3A_715 = arith.muli %add3A_713, %mul3A_714 : i32
        %sub3A_716 = arith.constant 1 : i32
        %sub3A_717 = vector.broadcast %sub3A_716 : i32 to vector<16xi32>
        %sub3A_718 = arith.subi %masked_cumsum3A_607, %sub3A_717 : vector<16xi32>
        %add3A_719 = arith.addi %sub3A_718, %add3A_709 : vector<16xi32>
        tpu.vector_store_idx %arg16[%add3A_719], %add3A_304 masked %lt3A_305 : memref<512xf32, #tpu.memory_space<vmem>>[vector<16xi32>], vector<16xf32>, vector<16xi1>
        %add3A_720 = vector.broadcast %mul3A_715 : i32 to vector<16xi32>
        %add3A_721 = arith.addi %iota3A, %add3A_720 : vector<16xi32>
        tpu.vector_store_idx %arg17[%add3A_719], %add3A_721 masked %lt3A_305 : memref<512xi32, #tpu.memory_space<vmem>>[vector<16xi32>], vector<16xi32>, vector<16xi1>
        %add3A_722 = arith.addi %add3A_709, %all_reduce_population_count3A_658 : vector<16xi32>
        %mul3A_723 = arith.constant 16 : i32
        %mul3A_724 = arith.muli %scan3A_208, %mul3A_723 : i32
        %add3A_725 = arith.constant 4 : i32
        %add3A_726 = arith.addi %mul3A_724, %add3A_725 : i32
        %mul3A_727 = arith.constant 16 : i32
        %mul3A_728 = arith.muli %add3A_726, %mul3A_727 : i32
        %sub3A_729 = arith.constant 1 : i32
        %sub3A_730 = vector.broadcast %sub3A_729 : i32 to vector<16xi32>
        %sub3A_731 = arith.subi %masked_cumsum3A_611, %sub3A_730 : vector<16xi32>
        %add3A_732 = arith.addi %sub3A_731, %add3A_722 : vector<16xi32>
        tpu.vector_store_idx %arg16[%add3A_732], %add3A_328 masked %lt3A_329 : memref<512xf32, #tpu.memory_space<vmem>>[vector<16xi32>], vector<16xf32>, vector<16xi1>
        %add3A_733 = vector.broadcast %mul3A_728 : i32 to vector<16xi32>
        %add3A_734 = arith.addi %iota3A, %add3A_733 : vector<16xi32>
        tpu.vector_store_idx %arg17[%add3A_732], %add3A_734 masked %lt3A_329 : memref<512xi32, #tpu.memory_space<vmem>>[vector<16xi32>], vector<16xi32>, vector<16xi1>
        %add3A_735 = arith.addi %add3A_722, %all_reduce_population_count3A_659 : vector<16xi32>
        %mul3A_736 = arith.constant 16 : i32
        %mul3A_737 = arith.muli %scan3A_208, %mul3A_736 : i32
        %add3A_738 = arith.constant 5 : i32
        %add3A_739 = arith.addi %mul3A_737, %add3A_738 : i32
        %mul3A_740 = arith.constant 16 : i32
        %mul3A_741 = arith.muli %add3A_739, %mul3A_740 : i32
        %sub3A_742 = arith.constant 1 : i32
        %sub3A_743 = vector.broadcast %sub3A_742 : i32 to vector<16xi32>
        %sub3A_744 = arith.subi %masked_cumsum3A_615, %sub3A_743 : vector<16xi32>
        %add3A_745 = arith.addi %sub3A_744, %add3A_735 : vector<16xi32>
        tpu.vector_store_idx %arg16[%add3A_745], %add3A_352 masked %lt3A_353 : memref<512xf32, #tpu.memory_space<vmem>>[vector<16xi32>], vector<16xf32>, vector<16xi1>
        %add3A_746 = vector.broadcast %mul3A_741 : i32 to vector<16xi32>
        %add3A_747 = arith.addi %iota3A, %add3A_746 : vector<16xi32>
        tpu.vector_store_idx %arg17[%add3A_745], %add3A_747 masked %lt3A_353 : memref<512xi32, #tpu.memory_space<vmem>>[vector<16xi32>], vector<16xi32>, vector<16xi1>
        %add3A_748 = arith.addi %add3A_735, %all_reduce_population_count3A_660 : vector<16xi32>
        %mul3A_749 = arith.constant 16 : i32
        %mul3A_750 = arith.muli %scan3A_208, %mul3A_749 : i32
        %add3A_751 = arith.constant 6 : i32
        %add3A_752 = arith.addi %mul3A_750, %add3A_751 : i32
        %mul3A_753 = arith.constant 16 : i32
        %mul3A_754 = arith.muli %add3A_752, %mul3A_753 : i32
        %sub3A_755 = arith.constant 1 : i32
        %sub3A_756 = vector.broadcast %sub3A_755 : i32 to vector<16xi32>
        %sub3A_757 = arith.subi %masked_cumsum3A_619, %sub3A_756 : vector<16xi32>
        %add3A_758 = arith.addi %sub3A_757, %add3A_748 : vector<16xi32>
        tpu.vector_store_idx %arg16[%add3A_758], %add3A_376 masked %lt3A_377 : memref<512xf32, #tpu.memory_space<vmem>>[vector<16xi32>], vector<16xf32>, vector<16xi1>
        %add3A_759 = vector.broadcast %mul3A_754 : i32 to vector<16xi32>
        %add3A_760 = arith.addi %iota3A, %add3A_759 : vector<16xi32>
        tpu.vector_store_idx %arg17[%add3A_758], %add3A_760 masked %lt3A_377 : memref<512xi32, #tpu.memory_space<vmem>>[vector<16xi32>], vector<16xi32>, vector<16xi1>
        %add3A_761 = arith.addi %add3A_748, %all_reduce_population_count3A_661 : vector<16xi32>
        %mul3A_762 = arith.constant 16 : i32
        %mul3A_763 = arith.muli %scan3A_208, %mul3A_762 : i32
        %add3A_764 = arith.constant 7 : i32
        %add3A_765 = arith.addi %mul3A_763, %add3A_764 : i32
        %mul3A_766 = arith.constant 16 : i32
        %mul3A_767 = arith.muli %add3A_765, %mul3A_766 : i32
        %sub3A_768 = arith.constant 1 : i32
        %sub3A_769 = vector.broadcast %sub3A_768 : i32 to vector<16xi32>
        %sub3A_770 = arith.subi %masked_cumsum3A_623, %sub3A_769 : vector<16xi32>
        %add3A_771 = arith.addi %sub3A_770, %add3A_761 : vector<16xi32>
        tpu.vector_store_idx %arg16[%add3A_771], %add3A_400 masked %lt3A_401 : memref<512xf32, #tpu.memory_space<vmem>>[vector<16xi32>], vector<16xf32>, vector<16xi1>
        %add3A_772 = vector.broadcast %mul3A_767 : i32 to vector<16xi32>
        %add3A_773 = arith.addi %iota3A, %add3A_772 : vector<16xi32>
        tpu.vector_store_idx %arg17[%add3A_771], %add3A_773 masked %lt3A_401 : memref<512xi32, #tpu.memory_space<vmem>>[vector<16xi32>], vector<16xi32>, vector<16xi1>
        %add3A_774 = arith.addi %add3A_761, %all_reduce_population_count3A_662 : vector<16xi32>
        %mul3A_775 = arith.constant 16 : i32
        %mul3A_776 = arith.muli %scan3A_208, %mul3A_775 : i32
        %add3A_777 = arith.constant 8 : i32
        %add3A_778 = arith.addi %mul3A_776, %add3A_777 : i32
        %mul3A_779 = arith.constant 16 : i32
        %mul3A_780 = arith.muli %add3A_778, %mul3A_779 : i32
        %sub3A_781 = arith.constant 1 : i32
        %sub3A_782 = vector.broadcast %sub3A_781 : i32 to vector<16xi32>
        %sub3A_783 = arith.subi %masked_cumsum3A_627, %sub3A_782 : vector<16xi32>
        %add3A_784 = arith.addi %sub3A_783, %add3A_774 : vector<16xi32>
        tpu.vector_store_idx %arg16[%add3A_784], %add3A_424 masked %lt3A_425 : memref<512xf32, #tpu.memory_space<vmem>>[vector<16xi32>], vector<16xf32>, vector<16xi1>
        %add3A_785 = vector.broadcast %mul3A_780 : i32 to vector<16xi32>
        %add3A_786 = arith.addi %iota3A, %add3A_785 : vector<16xi32>
        tpu.vector_store_idx %arg17[%add3A_784], %add3A_786 masked %lt3A_425 : memref<512xi32, #tpu.memory_space<vmem>>[vector<16xi32>], vector<16xi32>, vector<16xi1>
        %add3A_787 = arith.addi %add3A_774, %all_reduce_population_count3A_663 : vector<16xi32>
        %mul3A_788 = arith.constant 16 : i32
        %mul3A_789 = arith.muli %scan3A_208, %mul3A_788 : i32
        %add3A_790 = arith.constant 9 : i32
        %add3A_791 = arith.addi %mul3A_789, %add3A_790 : i32
        %mul3A_792 = arith.constant 16 : i32
        %mul3A_793 = arith.muli %add3A_791, %mul3A_792 : i32
        %sub3A_794 = arith.constant 1 : i32
        %sub3A_795 = vector.broadcast %sub3A_794 : i32 to vector<16xi32>
        %sub3A_796 = arith.subi %masked_cumsum3A_631, %sub3A_795 : vector<16xi32>
        %add3A_797 = arith.addi %sub3A_796, %add3A_787 : vector<16xi32>
        tpu.vector_store_idx %arg16[%add3A_797], %add3A_448 masked %lt3A_449 : memref<512xf32, #tpu.memory_space<vmem>>[vector<16xi32>], vector<16xf32>, vector<16xi1>
        %add3A_798 = vector.broadcast %mul3A_793 : i32 to vector<16xi32>
        %add3A_799 = arith.addi %iota3A, %add3A_798 : vector<16xi32>
        tpu.vector_store_idx %arg17[%add3A_797], %add3A_799 masked %lt3A_449 : memref<512xi32, #tpu.memory_space<vmem>>[vector<16xi32>], vector<16xi32>, vector<16xi1>
        %add3A_800 = arith.addi %add3A_787, %all_reduce_population_count3A_664 : vector<16xi32>
        %mul3A_801 = arith.constant 16 : i32
        %mul3A_802 = arith.muli %scan3A_208, %mul3A_801 : i32
        %add3A_803 = arith.constant 10 : i32
        %add3A_804 = arith.addi %mul3A_802, %add3A_803 : i32
        %mul3A_805 = arith.constant 16 : i32
        %mul3A_806 = arith.muli %add3A_804, %mul3A_805 : i32
        %sub3A_807 = arith.constant 1 : i32
        %sub3A_808 = vector.broadcast %sub3A_807 : i32 to vector<16xi32>
        %sub3A_809 = arith.subi %masked_cumsum3A_635, %sub3A_808 : vector<16xi32>
        %add3A_810 = arith.addi %sub3A_809, %add3A_800 : vector<16xi32>
        tpu.vector_store_idx %arg16[%add3A_810], %add3A_472 masked %lt3A_473 : memref<512xf32, #tpu.memory_space<vmem>>[vector<16xi32>], vector<16xf32>, vector<16xi1>
        %add3A_811 = vector.broadcast %mul3A_806 : i32 to vector<16xi32>
        %add3A_812 = arith.addi %iota3A, %add3A_811 : vector<16xi32>
        tpu.vector_store_idx %arg17[%add3A_810], %add3A_812 masked %lt3A_473 : memref<512xi32, #tpu.memory_space<vmem>>[vector<16xi32>], vector<16xi32>, vector<16xi1>
        %add3A_813 = arith.addi %add3A_800, %all_reduce_population_count3A_665 : vector<16xi32>
        %mul3A_814 = arith.constant 16 : i32
        %mul3A_815 = arith.muli %scan3A_208, %mul3A_814 : i32
        %add3A_816 = arith.constant 11 : i32
        %add3A_817 = arith.addi %mul3A_815, %add3A_816 : i32
        %mul3A_818 = arith.constant 16 : i32
        %mul3A_819 = arith.muli %add3A_817, %mul3A_818 : i32
        %sub3A_820 = arith.constant 1 : i32
        %sub3A_821 = vector.broadcast %sub3A_820 : i32 to vector<16xi32>
        %sub3A_822 = arith.subi %masked_cumsum3A_639, %sub3A_821 : vector<16xi32>
        %add3A_823 = arith.addi %sub3A_822, %add3A_813 : vector<16xi32>
        tpu.vector_store_idx %arg16[%add3A_823], %add3A_496 masked %lt3A_497 : memref<512xf32, #tpu.memory_space<vmem>>[vector<16xi32>], vector<16xf32>, vector<16xi1>
        %add3A_824 = vector.broadcast %mul3A_819 : i32 to vector<16xi32>
        %add3A_825 = arith.addi %iota3A, %add3A_824 : vector<16xi32>
        tpu.vector_store_idx %arg17[%add3A_823], %add3A_825 masked %lt3A_497 : memref<512xi32, #tpu.memory_space<vmem>>[vector<16xi32>], vector<16xi32>, vector<16xi1>
        %add3A_826 = arith.addi %add3A_813, %all_reduce_population_count3A_666 : vector<16xi32>
        %mul3A_827 = arith.constant 16 : i32
        %mul3A_828 = arith.muli %scan3A_208, %mul3A_827 : i32
        %add3A_829 = arith.constant 12 : i32
        %add3A_830 = arith.addi %mul3A_828, %add3A_829 : i32
        %mul3A_831 = arith.constant 16 : i32
        %mul3A_832 = arith.muli %add3A_830, %mul3A_831 : i32
        %sub3A_833 = arith.constant 1 : i32
        %sub3A_834 = vector.broadcast %sub3A_833 : i32 to vector<16xi32>
        %sub3A_835 = arith.subi %masked_cumsum3A_643, %sub3A_834 : vector<16xi32>
        %add3A_836 = arith.addi %sub3A_835, %add3A_826 : vector<16xi32>
        tpu.vector_store_idx %arg16[%add3A_836], %add3A_520 masked %lt3A_521 : memref<512xf32, #tpu.memory_space<vmem>>[vector<16xi32>], vector<16xf32>, vector<16xi1>
        %add3A_837 = vector.broadcast %mul3A_832 : i32 to vector<16xi32>
        %add3A_838 = arith.addi %iota3A, %add3A_837 : vector<16xi32>
        tpu.vector_store_idx %arg17[%add3A_836], %add3A_838 masked %lt3A_521 : memref<512xi32, #tpu.memory_space<vmem>>[vector<16xi32>], vector<16xi32>, vector<16xi1>
        %add3A_839 = arith.addi %add3A_826, %all_reduce_population_count3A_667 : vector<16xi32>
        %mul3A_840 = arith.constant 16 : i32
        %mul3A_841 = arith.muli %scan3A_208, %mul3A_840 : i32
        %add3A_842 = arith.constant 13 : i32
        %add3A_843 = arith.addi %mul3A_841, %add3A_842 : i32
        %mul3A_844 = arith.constant 16 : i32
        %mul3A_845 = arith.muli %add3A_843, %mul3A_844 : i32
        %sub3A_846 = arith.constant 1 : i32
        %sub3A_847 = vector.broadcast %sub3A_846 : i32 to vector<16xi32>
        %sub3A_848 = arith.subi %masked_cumsum3A_647, %sub3A_847 : vector<16xi32>
        %add3A_849 = arith.addi %sub3A_848, %add3A_839 : vector<16xi32>
        tpu.vector_store_idx %arg16[%add3A_849], %add3A_544 masked %lt3A_545 : memref<512xf32, #tpu.memory_space<vmem>>[vector<16xi32>], vector<16xf32>, vector<16xi1>
        %add3A_850 = vector.broadcast %mul3A_845 : i32 to vector<16xi32>
        %add3A_851 = arith.addi %iota3A, %add3A_850 : vector<16xi32>
        tpu.vector_store_idx %arg17[%add3A_849], %add3A_851 masked %lt3A_545 : memref<512xi32, #tpu.memory_space<vmem>>[vector<16xi32>], vector<16xi32>, vector<16xi1>
        %add3A_852 = arith.addi %add3A_839, %all_reduce_population_count3A_668 : vector<16xi32>
        %mul3A_853 = arith.constant 16 : i32
        %mul3A_854 = arith.muli %scan3A_208, %mul3A_853 : i32
        %add3A_855 = arith.constant 14 : i32
        %add3A_856 = arith.addi %mul3A_854, %add3A_855 : i32
        %mul3A_857 = arith.constant 16 : i32
        %mul3A_858 = arith.muli %add3A_856, %mul3A_857 : i32
        %sub3A_859 = arith.constant 1 : i32
        %sub3A_860 = vector.broadcast %sub3A_859 : i32 to vector<16xi32>
        %sub3A_861 = arith.subi %masked_cumsum3A_651, %sub3A_860 : vector<16xi32>
        %add3A_862 = arith.addi %sub3A_861, %add3A_852 : vector<16xi32>
        tpu.vector_store_idx %arg16[%add3A_862], %add3A_568 masked %lt3A_569 : memref<512xf32, #tpu.memory_space<vmem>>[vector<16xi32>], vector<16xf32>, vector<16xi1>
        %add3A_863 = vector.broadcast %mul3A_858 : i32 to vector<16xi32>
        %add3A_864 = arith.addi %iota3A, %add3A_863 : vector<16xi32>
        tpu.vector_store_idx %arg17[%add3A_862], %add3A_864 masked %lt3A_569 : memref<512xi32, #tpu.memory_space<vmem>>[vector<16xi32>], vector<16xi32>, vector<16xi1>
        %add3A_865 = arith.addi %add3A_852, %all_reduce_population_count3A_669 : vector<16xi32>
        %mul3A_866 = arith.constant 16 : i32
        %mul3A_867 = arith.muli %scan3A_208, %mul3A_866 : i32
        %add3A_868 = arith.constant 15 : i32
        %add3A_869 = arith.addi %mul3A_867, %add3A_868 : i32
        %mul3A_870 = arith.constant 16 : i32
        %mul3A_871 = arith.muli %add3A_869, %mul3A_870 : i32
        %sub3A_872 = arith.constant 1 : i32
        %sub3A_873 = vector.broadcast %sub3A_872 : i32 to vector<16xi32>
        %sub3A_874 = arith.subi %masked_cumsum3A_655, %sub3A_873 : vector<16xi32>
        %add3A_875 = arith.addi %sub3A_874, %add3A_865 : vector<16xi32>
        tpu.vector_store_idx %arg16[%add3A_875], %add3A_592 masked %lt3A_593 : memref<512xf32, #tpu.memory_space<vmem>>[vector<16xi32>], vector<16xf32>, vector<16xi1>
        %add3A_876 = vector.broadcast %mul3A_871 : i32 to vector<16xi32>
        %add3A_877 = arith.addi %iota3A, %add3A_876 : vector<16xi32>
        tpu.vector_store_idx %arg17[%add3A_875], %add3A_877 masked %lt3A_593 : memref<512xi32, #tpu.memory_space<vmem>>[vector<16xi32>], vector<16xi32>, vector<16xi1>
        %add3A_878 = arith.addi %add3A_865, %all_reduce_population_count3A_670 : vector<16xi32>
        %slice3A_879 = vector.extract_strided_slice %add3A_878 {offsets = [0], sizes = [1], strides = [1]} : vector<16xi32> to vector<1xi32>
        %squeeze3A_880 = vector.extract %slice3A_879[0] : i32 from vector<1xi32>
        %ge3A = arith.constant 256 : i32
        %ge3A_881 = arith.cmpi sge, %squeeze3A_880, %ge3A : i32
        %convert_element_type3A_882 = arith.extui %ge3A_881 : i1 to i32
        %cond3A = arith.constant 0 : i32
        %cond3A_883 = arith.cmpi ne, %convert_element_type3A_882, %cond3A : i32
        %cond3A_884:2 = scf.if %cond3A_883 -> (vector<16xf32>, vector<16xi32>) {
          %slice3A_885 = vector.extract_strided_slice %add3A_878 {offsets = [0], sizes = [1], strides = [1]} : vector<16xi32> to vector<1xi32>
          %squeeze3A_886 = vector.extract %slice3A_885[0] : i32 from vector<1xi32>
          %get3A_887 = arith.constant 0 : index
          %get3A_888 = tpu.vector_load %arg16[%get3A_887] {strides = array<i32>} : memref<512xf32, #tpu.memory_space<vmem>>, vector<16xf32>,
          %get3A_889 = arith.constant 0 : index
          %get3A_890 = tpu.vector_load %arg17[%get3A_889] {strides = array<i32>} : memref<512xi32, #tpu.memory_space<vmem>>, vector<16xi32>,
          %get3A_891 = arith.constant 16 : index
          %get3A_892 = tpu.vector_load %arg16[%get3A_891] {strides = array<i32>} : memref<512xf32, #tpu.memory_space<vmem>>, vector<16xf32>,
          %get3A_893 = arith.constant 16 : index
          %get3A_894 = tpu.vector_load %arg17[%get3A_893] {strides = array<i32>} : memref<512xi32, #tpu.memory_space<vmem>>, vector<16xi32>,
          %masked_sort3A_895 = arith.constant dense<true> : vector<16xi1>
          %masked_sort3A_896, %masked_sort3A_897, %masked_sort3A_898 = tpu.sort %get3A_888, %get3A_890 masked %masked_sort3A_895 : (vector<16xf32>, vector<16xi32>, vector<16xi1>) -> (vector<16xi1>, vector<16xf32>, vector<16xi32>)
          %masked_sort3A_899 = arith.constant dense<true> : vector<16xi1>
          %masked_sort3A_900, %masked_sort3A_901, %masked_sort3A_902 = tpu.sort %get3A_892, %get3A_894 masked %masked_sort3A_899 : (vector<16xf32>, vector<16xi32>, vector<16xi1>) -> (vector<16xi1>, vector<16xf32>, vector<16xi32>)
          %rev3A_903 = arith.constant 15 : i32
          %rev3A_904 = vector.broadcast %rev3A_903 : i32 to vector<16xi32>
          %rev3A_905 = tpu.iota {dimensions = array<i32: 0>} : vector<16xi32>
          %rev3A_906 = arith.subi %rev3A_904, %rev3A_905 : vector<16xi32>
          %rev3A_907 = tpu.dynamic_gather %masked_sort3A_901[%rev3A_906] in [0] : vector<16xf32>, vector<16xi32> -> vector<16xf32>
          %rev3A_908 = arith.constant 15 : i32
          %rev3A_909 = vector.broadcast %rev3A_908 : i32 to vector<16xi32>
          %rev3A_910 = tpu.iota {dimensions = array<i32: 0>} : vector<16xi32>
          %rev3A_911 = arith.subi %rev3A_909, %rev3A_910 : vector<16xi32>
          %rev3A_912 = tpu.dynamic_gather %masked_sort3A_902[%rev3A_911] in [0] : vector<16xi32>, vector<16xi32> -> vector<16xi32>
          %le3A_913 = arith.cmpf ole, %masked_sort3A_897, %rev3A_907 : vector<16xf32>
          %select_n3A_914 = arith.select %le3A_913, %masked_sort3A_897, %rev3A_907 : vector<16xi1>, vector<16xf32>
          %select_n3A_915 = arith.select %le3A_913, %masked_sort3A_898, %rev3A_912 : vector<16xi1>, vector<16xi32>
          %select_n3A_916 = arith.select %le3A_913, %rev3A_907, %masked_sort3A_897 : vector<16xi1>, vector<16xf32>
          %select_n3A_917 = arith.select %le3A_913, %rev3A_912, %masked_sort3A_898 : vector<16xi1>, vector<16xi32>
          %masked_sort3A_918 = arith.constant dense<true> : vector<16xi1>
          %masked_sort3A_919, %masked_sort3A_920, %masked_sort3A_921 = tpu.sort %select_n3A_914, %select_n3A_915 masked %masked_sort3A_918 : (vector<16xf32>, vector<16xi32>, vector<16xi1>) -> (vector<16xi1>, vector<16xf32>, vector<16xi32>)
          %masked_sort3A_922 = arith.constant dense<true> : vector<16xi1>
          %masked_sort3A_923, %masked_sort3A_924, %masked_sort3A_925 = tpu.sort %select_n3A_916, %select_n3A_917 masked %masked_sort3A_922 : (vector<16xf32>, vector<16xi32>, vector<16xi1>) -> (vector<16xi1>, vector<16xf32>, vector<16xi32>)
          %add3A_926 = arith.constant 15 : i32
          %add3A_927 = arith.addi %squeeze3A_886, %add3A_926 : i32
          %div3A_928 = arith.constant 16 : i32
          %div3A_929 = arith.divsi %add3A_927, %div3A_928 : i32
          %while3A_930 = arith.constant 2 : i32
          %while3A_931 = arith.subi %div3A_929, %while3A_930 : i32
          %while3A_932 = arith.addi %while3A_930, %while3A_931 : i32
          %while3A_933 = arith.constant 1 : i32
          %while3A_934 = arith.divsi %while3A_931, %while3A_933 : i32
          %while3A_935 = arith.muli %while3A_934, %while3A_933 : i32
          %while3A_936 = arith.addi %while3A_930, %while3A_935 : i32
          %while3A_937 = arith.constant 1 : i32
          %while3A_938:4 = scf.for %while3A_969 = %while3A_930 to %while3A_936 step %while3A_937 iter_args(%while3A_970 = %masked_sort3A_920, %while3A_971 = %masked_sort3A_921, %while3A_972 = %masked_sort3A_924, %while3A_973 = %masked_sort3A_925) -> (vector<16xf32>, vector<16xi32>, vector<16xf32>, vector<16xi32>)  : i32 {
            %mul3A_974 = arith.constant 16 : i32
            %mul3A_975 = arith.muli %while3A_969, %mul3A_974 : i32
            %get3A_976 = arith.index_cast %mul3A_975 : i32 to index
            %get3A_977 = tpu.vector_load %arg16[%get3A_976] {strides = array<i32>} : memref<512xf32, #tpu.memory_space<vmem>>, vector<16xf32>,
            %mul3A_978 = arith.constant 16 : i32
            %mul3A_979 = arith.muli %while3A_969, %mul3A_978 : i32
            %get3A_980 = arith.index_cast %mul3A_979 : i32 to index
            %get3A_981 = tpu.vector_load %arg17[%get3A_980] {strides = array<i32>} : memref<512xi32, #tpu.memory_space<vmem>>, vector<16xi32>,
            %masked_sort3A_982 = arith.constant dense<true> : vector<16xi1>
            %masked_sort3A_983, %masked_sort3A_984, %masked_sort3A_985 = tpu.sort %get3A_977, %get3A_981 masked %masked_sort3A_982 : (vector<16xf32>, vector<16xi32>, vector<16xi1>) -> (vector<16xi1>, vector<16xf32>, vector<16xi32>)
            %rev3A_986 = arith.constant 15 : i32
            %rev3A_987 = vector.broadcast %rev3A_986 : i32 to vector<16xi32>
            %rev3A_988 = tpu.iota {dimensions = array<i32: 0>} : vector<16xi32>
            %rev3A_989 = arith.subi %rev3A_987, %rev3A_988 : vector<16xi32>
            %rev3A_990 = tpu.dynamic_gather %masked_sort3A_984[%rev3A_989] in [0] : vector<16xf32>, vector<16xi32> -> vector<16xf32>
            %rev3A_991 = arith.constant 15 : i32
            %rev3A_992 = vector.broadcast %rev3A_991 : i32 to vector<16xi32>
            %rev3A_993 = tpu.iota {dimensions = array<i32: 0>} : vector<16xi32>
            %rev3A_994 = arith.subi %rev3A_992, %rev3A_993 : vector<16xi32>
            %rev3A_995 = tpu.dynamic_gather %masked_sort3A_985[%rev3A_994] in [0] : vector<16xi32>, vector<16xi32> -> vector<16xi32>
            %le3A_996 = arith.cmpf ole, %while3A_972, %rev3A_990 : vector<16xf32>
            %select_n3A_997 = arith.select %le3A_996, %while3A_972, %rev3A_990 : vector<16xi1>, vector<16xf32>
            %select_n3A_998 = arith.select %le3A_996, %while3A_973, %rev3A_995 : vector<16xi1>, vector<16xi32>
            %masked_sort3A_999 = arith.constant dense<true> : vector<16xi1>
            %masked_sort3A_1000, %masked_sort3A_1001, %masked_sort3A_1002 = tpu.sort %select_n3A_997, %select_n3A_998 masked %masked_sort3A_999 : (vector<16xf32>, vector<16xi32>, vector<16xi1>) -> (vector<16xi1>, vector<16xf32>, vector<16xi32>)
            %rev3A_1003 = arith.constant 15 : i32
            %rev3A_1004 = vector.broadcast %rev3A_1003 : i32 to vector<16xi32>
            %rev3A_1005 = tpu.iota {dimensions = array<i32: 0>} : vector<16xi32>
            %rev3A_1006 = arith.subi %rev3A_1004, %rev3A_1005 : vector<16xi32>
            %rev3A_1007 = tpu.dynamic_gather %masked_sort3A_1001[%rev3A_1006] in [0] : vector<16xf32>, vector<16xi32> -> vector<16xf32>
            %rev3A_1008 = arith.constant 15 : i32
            %rev3A_1009 = vector.broadcast %rev3A_1008 : i32 to vector<16xi32>
            %rev3A_1010 = tpu.iota {dimensions = array<i32: 0>} : vector<16xi32>
            %rev3A_1011 = arith.subi %rev3A_1009, %rev3A_1010 : vector<16xi32>
            %rev3A_1012 = tpu.dynamic_gather %masked_sort3A_1002[%rev3A_1011] in [0] : vector<16xi32>, vector<16xi32> -> vector<16xi32>
            %le3A_1013 = arith.cmpf ole, %while3A_970, %rev3A_1007 : vector<16xf32>
            %select_n3A_1014 = arith.select %le3A_1013, %while3A_970, %rev3A_1007 : vector<16xi1>, vector<16xf32>
            %select_n3A_1015 = arith.select %le3A_1013, %while3A_971, %rev3A_1012 : vector<16xi1>, vector<16xi32>
            %select_n3A_1016 = arith.select %le3A_1013, %rev3A_1007, %while3A_970 : vector<16xi1>, vector<16xf32>
            %select_n3A_1017 = arith.select %le3A_1013, %rev3A_1012, %while3A_971 : vector<16xi1>, vector<16xi32>
            %masked_sort3A_1018 = arith.constant dense<true> : vector<16xi1>
            %masked_sort3A_1019, %masked_sort3A_1020, %masked_sort3A_1021 = tpu.sort %select_n3A_1014, %select_n3A_1015 masked %masked_sort3A_1018 : (vector<16xf32>, vector<16xi32>, vector<16xi1>) -> (vector<16xi1>, vector<16xf32>, vector<16xi32>)
            %masked_sort3A_1022 = arith.constant dense<true> : vector<16xi1>
            %masked_sort3A_1023, %masked_sort3A_1024, %masked_sort3A_1025 = tpu.sort %select_n3A_1016, %select_n3A_1017 masked %masked_sort3A_1022 : (vector<16xf32>, vector<16xi32>, vector<16xi1>) -> (vector<16xi1>, vector<16xf32>, vector<16xi32>)
            scf.yield %masked_sort3A_1020, %masked_sort3A_1021, %masked_sort3A_1024, %masked_sort3A_1025 : vector<16xf32>, vector<16xi32>, vector<16xf32>, vector<16xi32>
          }
          %while3A_939 = arith.constant 1 : i32
          %while3A_940:4 = scf.for %while3A_969 = %while3A_936 to %while3A_932 step %while3A_939 iter_args(%while3A_970 = %while3A_938#0, %while3A_971 = %while3A_938#1, %while3A_972 = %while3A_938#2, %while3A_973 = %while3A_938#3) -> (vector<16xf32>, vector<16xi32>, vector<16xf32>, vector<16xi32>)  : i32 {
            %mul3A_974 = arith.constant 16 : i32
            %mul3A_975 = arith.muli %while3A_969, %mul3A_974 : i32
            %get3A_976 = arith.index_cast %mul3A_975 : i32 to index
            %get3A_977 = tpu.vector_load %arg16[%get3A_976] {strides = array<i32>} : memref<512xf32, #tpu.memory_space<vmem>>, vector<16xf32>,
            %mul3A_978 = arith.constant 16 : i32
            %mul3A_979 = arith.muli %while3A_969, %mul3A_978 : i32
            %get3A_980 = arith.index_cast %mul3A_979 : i32 to index
            %get3A_981 = tpu.vector_load %arg17[%get3A_980] {strides = array<i32>} : memref<512xi32, #tpu.memory_space<vmem>>, vector<16xi32>,
            %masked_sort3A_982 = arith.constant dense<true> : vector<16xi1>
            %masked_sort3A_983, %masked_sort3A_984, %masked_sort3A_985 = tpu.sort %get3A_977, %get3A_981 masked %masked_sort3A_982 : (vector<16xf32>, vector<16xi32>, vector<16xi1>) -> (vector<16xi1>, vector<16xf32>, vector<16xi32>)
            %rev3A_986 = arith.constant 15 : i32
            %rev3A_987 = vector.broadcast %rev3A_986 : i32 to vector<16xi32>
            %rev3A_988 = tpu.iota {dimensions = array<i32: 0>} : vector<16xi32>
            %rev3A_989 = arith.subi %rev3A_987, %rev3A_988 : vector<16xi32>
            %rev3A_990 = tpu.dynamic_gather %masked_sort3A_984[%rev3A_989] in [0] : vector<16xf32>, vector<16xi32> -> vector<16xf32>
            %rev3A_991 = arith.constant 15 : i32
            %rev3A_992 = vector.broadcast %rev3A_991 : i32 to vector<16xi32>
            %rev3A_993 = tpu.iota {dimensions = array<i32: 0>} : vector<16xi32>
            %rev3A_994 = arith.subi %rev3A_992, %rev3A_993 : vector<16xi32>
            %rev3A_995 = tpu.dynamic_gather %masked_sort3A_985[%rev3A_994] in [0] : vector<16xi32>, vector<16xi32> -> vector<16xi32>
            %le3A_996 = arith.cmpf ole, %while3A_972, %rev3A_990 : vector<16xf32>
            %select_n3A_997 = arith.select %le3A_996, %while3A_972, %rev3A_990 : vector<16xi1>, vector<16xf32>
            %select_n3A_998 = arith.select %le3A_996, %while3A_973, %rev3A_995 : vector<16xi1>, vector<16xi32>
            %masked_sort3A_999 = arith.constant dense<true> : vector<16xi1>
            %masked_sort3A_1000, %masked_sort3A_1001, %masked_sort3A_1002 = tpu.sort %select_n3A_997, %select_n3A_998 masked %masked_sort3A_999 : (vector<16xf32>, vector<16xi32>, vector<16xi1>) -> (vector<16xi1>, vector<16xf32>, vector<16xi32>)
            %rev3A_1003 = arith.constant 15 : i32
            %rev3A_1004 = vector.broadcast %rev3A_1003 : i32 to vector<16xi32>
            %rev3A_1005 = tpu.iota {dimensions = array<i32: 0>} : vector<16xi32>
            %rev3A_1006 = arith.subi %rev3A_1004, %rev3A_1005 : vector<16xi32>
            %rev3A_1007 = tpu.dynamic_gather %masked_sort3A_1001[%rev3A_1006] in [0] : vector<16xf32>, vector<16xi32> -> vector<16xf32>
            %rev3A_1008 = arith.constant 15 : i32
            %rev3A_1009 = vector.broadcast %rev3A_1008 : i32 to vector<16xi32>
            %rev3A_1010 = tpu.iota {dimensions = array<i32: 0>} : vector<16xi32>
            %rev3A_1011 = arith.subi %rev3A_1009, %rev3A_1010 : vector<16xi32>
            %rev3A_1012 = tpu.dynamic_gather %masked_sort3A_1002[%rev3A_1011] in [0] : vector<16xi32>, vector<16xi32> -> vector<16xi32>
            %le3A_1013 = arith.cmpf ole, %while3A_970, %rev3A_1007 : vector<16xf32>
            %select_n3A_1014 = arith.select %le3A_1013, %while3A_970, %rev3A_1007 : vector<16xi1>, vector<16xf32>
            %select_n3A_1015 = arith.select %le3A_1013, %while3A_971, %rev3A_1012 : vector<16xi1>, vector<16xi32>
            %select_n3A_1016 = arith.select %le3A_1013, %rev3A_1007, %while3A_970 : vector<16xi1>, vector<16xf32>
            %select_n3A_1017 = arith.select %le3A_1013, %rev3A_1012, %while3A_971 : vector<16xi1>, vector<16xi32>
            %masked_sort3A_1018 = arith.constant dense<true> : vector<16xi1>
            %masked_sort3A_1019, %masked_sort3A_1020, %masked_sort3A_1021 = tpu.sort %select_n3A_1014, %select_n3A_1015 masked %masked_sort3A_1018 : (vector<16xf32>, vector<16xi32>, vector<16xi1>) -> (vector<16xi1>, vector<16xf32>, vector<16xi32>)
            %masked_sort3A_1022 = arith.constant dense<true> : vector<16xi1>
            %masked_sort3A_1023, %masked_sort3A_1024, %masked_sort3A_1025 = tpu.sort %select_n3A_1016, %select_n3A_1017 masked %masked_sort3A_1022 : (vector<16xf32>, vector<16xi32>, vector<16xi1>) -> (vector<16xi1>, vector<16xf32>, vector<16xi32>)
            scf.yield %masked_sort3A_1020, %masked_sort3A_1021, %masked_sort3A_1024, %masked_sort3A_1025 : vector<16xf32>, vector<16xi32>, vector<16xf32>, vector<16xi32>
          }
          %swap3A_941 = arith.constant 0 : index
          %swap3A_942 = tpu.vector_load %arg16[%swap3A_941] {strides = array<i32>} : memref<512xf32, #tpu.memory_space<vmem>>, vector<16xf32>,
          tpu.vector_store %arg16[%swap3A_941], %while3A_940#0 {strides = array<i32>} : memref<512xf32, #tpu.memory_space<vmem>>, vector<16xf32>,
          %swap3A_943 = arith.constant 16 : index
          %swap3A_944 = tpu.vector_load %arg16[%swap3A_943] {strides = array<i32>} : memref<512xf32, #tpu.memory_space<vmem>>, vector<16xf32>,
          tpu.vector_store %arg16[%swap3A_943], %while3A_940#2 {strides = array<i32>} : memref<512xf32, #tpu.memory_space<vmem>>, vector<16xf32>,
          %swap3A_945 = arith.constant 0 : index
          %swap3A_946 = tpu.vector_load %arg17[%swap3A_945] {strides = array<i32>} : memref<512xi32, #tpu.memory_space<vmem>>, vector<16xi32>,
          tpu.vector_store %arg17[%swap3A_945], %while3A_940#1 {strides = array<i32>} : memref<512xi32, #tpu.memory_space<vmem>>, vector<16xi32>,
          %swap3A_947 = arith.constant 16 : index
          %swap3A_948 = tpu.vector_load %arg17[%swap3A_947] {strides = array<i32>} : memref<512xi32, #tpu.memory_space<vmem>>, vector<16xi32>,
          tpu.vector_store %arg17[%swap3A_947], %while3A_940#3 {strides = array<i32>} : memref<512xi32, #tpu.memory_space<vmem>>, vector<16xi32>,
          %scan3A_949 = arith.constant 0 : i32
          %scan3A_950 = arith.constant 2 : i32
          %scan3A_951 = arith.constant 30 : i32
          %scan3A_952 = arith.addi %scan3A_950, %scan3A_951 : i32
          %scan3A_953 = arith.constant 1 : i32
          %scan3A_954 = scf.for %scan3A_969 = %scan3A_950 to %scan3A_952 step %scan3A_953 iter_args(%scan3A_970 = %scan3A_949) -> (i32)  : i32 {
            %mul3A_971 = arith.constant 16 : i32
            %mul3A_972 = arith.muli %scan3A_969, %mul3A_971 : i32
            %swap3A_973 = arith.index_cast %mul3A_972 : i32 to index
            %swap3A_974 = tpu.vector_load %arg16[%swap3A_973] {strides = array<i32>} : memref<512xf32, #tpu.memory_space<vmem>>, vector<16xf32>,
            tpu.vector_store %arg16[%swap3A_973], %broadcast_in_dim3A_12 {strides = array<i32>} : memref<512xf32, #tpu.memory_space<vmem>>, vector<16xf32>,
            %scan3A_975 = arith.constant 0 : i32
            scf.yield %scan3A_975 : i32
          }
          %scan3A_955 = arith.constant 30 : i32
          %broadcast_in_dim3A_956 = arith.constant 0.000000e+00 : f32
          %broadcast_in_dim3A_957 = vector.broadcast %broadcast_in_dim3A_956 : f32 to vector<16xf32>
          %rev3A_958 = arith.constant 15 : i32
          %rev3A_959 = vector.broadcast %rev3A_958 : i32 to vector<16xi32>
          %rev3A_960 = tpu.iota {dimensions = array<i32: 0>} : vector<16xi32>
          %rev3A_961 = arith.subi %rev3A_959, %rev3A_960 : vector<16xi32>
          %rev3A_962 = tpu.dynamic_gather %while3A_940#2[%rev3A_961] in [0] : vector<16xf32>, vector<16xi32> -> vector<16xf32>
          %slice3A_963 = vector.extract_strided_slice %rev3A_962 {offsets = [0], sizes = [1], strides = [1]} : vector<16xf32> to vector<1xf32>
          %squeeze3A_964 = vector.extract %slice3A_963[0] : f32 from vector<1xf32>
          %add3A_965 = vector.broadcast %squeeze3A_964 : f32 to vector<16xf32>
          %add3A_966 = arith.addf %broadcast_in_dim3A_957, %add3A_965 : vector<16xf32>
          %broadcast_in_dim3A_967 = arith.constant 32 : i32
          %broadcast_in_dim3A_968 = vector.broadcast %broadcast_in_dim3A_967 : i32 to vector<16xi32>
          scf.yield %add3A_966, %broadcast_in_dim3A_968 : vector<16xf32>, vector<16xi32>
        } else {
          scf.yield %scan3A_209, %add3A_878 : vector<16xf32>, vector<16xi32>
        }
        scf.yield %cond3A_884#0, %cond3A_884#1 : vector<16xf32>, vector<16xi32>
      }
      %scan3A_116 = arith.constant 32 : i32
      %slice3A_117 = vector.extract_strided_slice %scan3A_115#1 {offsets = [0], sizes = [1], strides = [1]} : vector<16xi32> to vector<1xi32>
      %squeeze3A_118 = vector.extract %slice3A_117[0] : i32 from vector<1xi32>
      %get3A_119 = arith.constant 0 : index
      %get3A_120 = tpu.vector_load %arg16[%get3A_119] {strides = array<i32>} : memref<512xf32, #tpu.memory_space<vmem>>, vector<16xf32>,
      %get3A_121 = arith.constant 0 : index
      %get3A_122 = tpu.vector_load %arg17[%get3A_121] {strides = array<i32>} : memref<512xi32, #tpu.memory_space<vmem>>, vector<16xi32>,
      %get3A_123 = arith.constant 16 : index
      %get3A_124 = tpu.vector_load %arg16[%get3A_123] {strides = array<i32>} : memref<512xf32, #tpu.memory_space<vmem>>, vector<16xf32>,
      %get3A_125 = arith.constant 16 : index
      %get3A_126 = tpu.vector_load %arg17[%get3A_125] {strides = array<i32>} : memref<512xi32, #tpu.memory_space<vmem>>, vector<16xi32>,
      %masked_sort3A = arith.constant dense<true> : vector<16xi1>
      %masked_sort3A_127, %masked_sort3A_128, %masked_sort3A_129 = tpu.sort %get3A_120, %get3A_122 masked %masked_sort3A : (vector<16xf32>, vector<16xi32>, vector<16xi1>) -> (vector<16xi1>, vector<16xf32>, vector<16xi32>)
      %masked_sort3A_130 = arith.constant dense<true> : vector<16xi1>
      %masked_sort3A_131, %masked_sort3A_132, %masked_sort3A_133 = tpu.sort %get3A_124, %get3A_126 masked %masked_sort3A_130 : (vector<16xf32>, vector<16xi32>, vector<16xi1>) -> (vector<16xi1>, vector<16xf32>, vector<16xi32>)
      %rev3A = arith.constant 15 : i32
      %rev3A_134 = vector.broadcast %rev3A : i32 to vector<16xi32>
      %rev3A_135 = tpu.iota {dimensions = array<i32: 0>} : vector<16xi32>
      %rev3A_136 = arith.subi %rev3A_134, %rev3A_135 : vector<16xi32>
      %rev3A_137 = tpu.dynamic_gather %masked_sort3A_132[%rev3A_136] in [0] : vector<16xf32>, vector<16xi32> -> vector<16xf32>
      %rev3A_138 = arith.constant 15 : i32
      %rev3A_139 = vector.broadcast %rev3A_138 : i32 to vector<16xi32>
      %rev3A_140 = tpu.iota {dimensions = array<i32: 0>} : vector<16xi32>
      %rev3A_141 = arith.subi %rev3A_139, %rev3A_140 : vector<16xi32>
      %rev3A_142 = tpu.dynamic_gather %masked_sort3A_133[%rev3A_141] in [0] : vector<16xi32>, vector<16xi32> -> vector<16xi32>
      %le3A = arith.cmpf ole, %masked_sort3A_128, %rev3A_137 : vector<16xf32>
      %select_n3A = arith.select %le3A, %masked_sort3A_128, %rev3A_137 : vector<16xi1>, vector<16xf32>
      %select_n3A_143 = arith.select %le3A, %masked_sort3A_129, %rev3A_142 : vector<16xi1>, vector<16xi32>
      %select_n3A_144 = arith.select %le3A, %rev3A_137, %masked_sort3A_128 : vector<16xi1>, vector<16xf32>
      %select_n3A_145 = arith.select %le3A, %rev3A_142, %masked_sort3A_129 : vector<16xi1>, vector<16xi32>
      %masked_sort3A_146 = arith.constant dense<true> : vector<16xi1>
      %masked_sort3A_147, %masked_sort3A_148, %masked_sort3A_149 = tpu.sort %select_n3A, %select_n3A_143 masked %masked_sort3A_146 : (vector<16xf32>, vector<16xi32>, vector<16xi1>) -> (vector<16xi1>, vector<16xf32>, vector<16xi32>)
      %masked_sort3A_150 = arith.constant dense<true> : vector<16xi1>
      %masked_sort3A_151, %masked_sort3A_152, %masked_sort3A_153 = tpu.sort %select_n3A_144, %select_n3A_145 masked %masked_sort3A_150 : (vector<16xf32>, vector<16xi32>, vector<16xi1>) -> (vector<16xi1>, vector<16xf32>, vector<16xi32>)
      %add3A_154 = arith.constant 15 : i32
      %add3A_155 = arith.addi %squeeze3A_118, %add3A_154 : i32
      %div3A = arith.constant 16 : i32
      %div3A_156 = arith.divsi %add3A_155, %div3A : i32
      %while3A = arith.constant 2 : i32
      %while3A_157 = arith.subi %div3A_156, %while3A : i32
      %while3A_158 = arith.addi %while3A, %while3A_157 : i32
      %while3A_159 = arith.constant 1 : i32
      %while3A_160 = arith.divsi %while3A_157, %while3A_159 : i32
      %while3A_161 = arith.muli %while3A_160, %while3A_159 : i32
      %while3A_162 = arith.addi %while3A, %while3A_161 : i32
      %while3A_163 = arith.constant 1 : i32
      %while3A_164:4 = scf.for %while3A_208 = %while3A to %while3A_162 step %while3A_163 iter_args(%while3A_209 = %masked_sort3A_148, %while3A_210 = %masked_sort3A_149, %while3A_211 = %masked_sort3A_152, %while3A_212 = %masked_sort3A_153) -> (vector<16xf32>, vector<16xi32>, vector<16xf32>, vector<16xi32>)  : i32 {
        %mul3A_213 = arith.constant 16 : i32
        %mul3A_214 = arith.muli %while3A_208, %mul3A_213 : i32
        %get3A_215 = arith.index_cast %mul3A_214 : i32 to index
        %get3A_216 = tpu.vector_load %arg16[%get3A_215] {strides = array<i32>} : memref<512xf32, #tpu.memory_space<vmem>>, vector<16xf32>,
        %mul3A_217 = arith.constant 16 : i32
        %mul3A_218 = arith.muli %while3A_208, %mul3A_217 : i32
        %get3A_219 = arith.index_cast %mul3A_218 : i32 to index
        %get3A_220 = tpu.vector_load %arg17[%get3A_219] {strides = array<i32>} : memref<512xi32, #tpu.memory_space<vmem>>, vector<16xi32>,
        %masked_sort3A_221 = arith.constant dense<true> : vector<16xi1>
        %masked_sort3A_222, %masked_sort3A_223, %masked_sort3A_224 = tpu.sort %get3A_216, %get3A_220 masked %masked_sort3A_221 : (vector<16xf32>, vector<16xi32>, vector<16xi1>) -> (vector<16xi1>, vector<16xf32>, vector<16xi32>)
        %rev3A_225 = arith.constant 15 : i32
        %rev3A_226 = vector.broadcast %rev3A_225 : i32 to vector<16xi32>
        %rev3A_227 = tpu.iota {dimensions = array<i32: 0>} : vector<16xi32>
        %rev3A_228 = arith.subi %rev3A_226, %rev3A_227 : vector<16xi32>
        %rev3A_229 = tpu.dynamic_gather %masked_sort3A_223[%rev3A_228] in [0] : vector<16xf32>, vector<16xi32> -> vector<16xf32>
        %rev3A_230 = arith.constant 15 : i32
        %rev3A_231 = vector.broadcast %rev3A_230 : i32 to vector<16xi32>
        %rev3A_232 = tpu.iota {dimensions = array<i32: 0>} : vector<16xi32>
        %rev3A_233 = arith.subi %rev3A_231, %rev3A_232 : vector<16xi32>
        %rev3A_234 = tpu.dynamic_gather %masked_sort3A_224[%rev3A_233] in [0] : vector<16xi32>, vector<16xi32> -> vector<16xi32>
        %le3A_235 = arith.cmpf ole, %while3A_211, %rev3A_229 : vector<16xf32>
        %select_n3A_236 = arith.select %le3A_235, %while3A_211, %rev3A_229 : vector<16xi1>, vector<16xf32>
        %select_n3A_237 = arith.select %le3A_235, %while3A_212, %rev3A_234 : vector<16xi1>, vector<16xi32>
        %masked_sort3A_238 = arith.constant dense<true> : vector<16xi1>
        %masked_sort3A_239, %masked_sort3A_240, %masked_sort3A_241 = tpu.sort %select_n3A_236, %select_n3A_237 masked %masked_sort3A_238 : (vector<16xf32>, vector<16xi32>, vector<16xi1>) -> (vector<16xi1>, vector<16xf32>, vector<16xi32>)
        %rev3A_242 = arith.constant 15 : i32
        %rev3A_243 = vector.broadcast %rev3A_242 : i32 to vector<16xi32>
        %rev3A_244 = tpu.iota {dimensions = array<i32: 0>} : vector<16xi32>
        %rev3A_245 = arith.subi %rev3A_243, %rev3A_244 : vector<16xi32>
        %rev3A_246 = tpu.dynamic_gather %masked_sort3A_240[%rev3A_245] in [0] : vector<16xf32>, vector<16xi32> -> vector<16xf32>
        %rev3A_247 = arith.constant 15 : i32
        %rev3A_248 = vector.broadcast %rev3A_247 : i32 to vector<16xi32>
        %rev3A_249 = tpu.iota {dimensions = array<i32: 0>} : vector<16xi32>
        %rev3A_250 = arith.subi %rev3A_248, %rev3A_249 : vector<16xi32>
        %rev3A_251 = tpu.dynamic_gather %masked_sort3A_241[%rev3A_250] in [0] : vector<16xi32>, vector<16xi32> -> vector<16xi32>
        %le3A_252 = arith.cmpf ole, %while3A_209, %rev3A_246 : vector<16xf32>
        %select_n3A_253 = arith.select %le3A_252, %while3A_209, %rev3A_246 : vector<16xi1>, vector<16xf32>
        %select_n3A_254 = arith.select %le3A_252, %while3A_210, %rev3A_251 : vector<16xi1>, vector<16xi32>
        %select_n3A_255 = arith.select %le3A_252, %rev3A_246, %while3A_209 : vector<16xi1>, vector<16xf32>
        %select_n3A_256 = arith.select %le3A_252, %rev3A_251, %while3A_210 : vector<16xi1>, vector<16xi32>
        %masked_sort3A_257 = arith.constant dense<true> : vector<16xi1>
        %masked_sort3A_258, %masked_sort3A_259, %masked_sort3A_260 = tpu.sort %select_n3A_253, %select_n3A_254 masked %masked_sort3A_257 : (vector<16xf32>, vector<16xi32>, vector<16xi1>) -> (vector<16xi1>, vector<16xf32>, vector<16xi32>)
        %masked_sort3A_261 = arith.constant dense<true> : vector<16xi1>
        %masked_sort3A_262, %masked_sort3A_263, %masked_sort3A_264 = tpu.sort %select_n3A_255, %select_n3A_256 masked %masked_sort3A_261 : (vector<16xf32>, vector<16xi32>, vector<16xi1>) -> (vector<16xi1>, vector<16xf32>, vector<16xi32>)
        scf.yield %masked_sort3A_259, %masked_sort3A_260, %masked_sort3A_263, %masked_sort3A_264 : vector<16xf32>, vector<16xi32>, vector<16xf32>, vector<16xi32>
      }
      %while3A_165 = arith.constant 1 : i32
      %while3A_166:4 = scf.for %while3A_208 = %while3A_162 to %while3A_158 step %while3A_165 iter_args(%while3A_209 = %while3A_164#0, %while3A_210 = %while3A_164#1, %while3A_211 = %while3A_164#2, %while3A_212 = %while3A_164#3) -> (vector<16xf32>, vector<16xi32>, vector<16xf32>, vector<16xi32>)  : i32 {
        %mul3A_213 = arith.constant 16 : i32
        %mul3A_214 = arith.muli %while3A_208, %mul3A_213 : i32
        %get3A_215 = arith.index_cast %mul3A_214 : i32 to index
        %get3A_216 = tpu.vector_load %arg16[%get3A_215] {strides = array<i32>} : memref<512xf32, #tpu.memory_space<vmem>>, vector<16xf32>,
        %mul3A_217 = arith.constant 16 : i32
        %mul3A_218 = arith.muli %while3A_208, %mul3A_217 : i32
        %get3A_219 = arith.index_cast %mul3A_218 : i32 to index
        %get3A_220 = tpu.vector_load %arg17[%get3A_219] {strides = array<i32>} : memref<512xi32, #tpu.memory_space<vmem>>, vector<16xi32>,
        %masked_sort3A_221 = arith.constant dense<true> : vector<16xi1>
        %masked_sort3A_222, %masked_sort3A_223, %masked_sort3A_224 = tpu.sort %get3A_216, %get3A_220 masked %masked_sort3A_221 : (vector<16xf32>, vector<16xi32>, vector<16xi1>) -> (vector<16xi1>, vector<16xf32>, vector<16xi32>)
        %rev3A_225 = arith.constant 15 : i32
        %rev3A_226 = vector.broadcast %rev3A_225 : i32 to vector<16xi32>
        %rev3A_227 = tpu.iota {dimensions = array<i32: 0>} : vector<16xi32>
        %rev3A_228 = arith.subi %rev3A_226, %rev3A_227 : vector<16xi32>
        %rev3A_229 = tpu.dynamic_gather %masked_sort3A_223[%rev3A_228] in [0] : vector<16xf32>, vector<16xi32> -> vector<16xf32>
        %rev3A_230 = arith.constant 15 : i32
        %rev3A_231 = vector.broadcast %rev3A_230 : i32 to vector<16xi32>
        %rev3A_232 = tpu.iota {dimensions = array<i32: 0>} : vector<16xi32>
        %rev3A_233 = arith.subi %rev3A_231, %rev3A_232 : vector<16xi32>
        %rev3A_234 = tpu.dynamic_gather %masked_sort3A_224[%rev3A_233] in [0] : vector<16xi32>, vector<16xi32> -> vector<16xi32>
        %le3A_235 = arith.cmpf ole, %while3A_211, %rev3A_229 : vector<16xf32>
        %select_n3A_236 = arith.select %le3A_235, %while3A_211, %rev3A_229 : vector<16xi1>, vector<16xf32>
        %select_n3A_237 = arith.select %le3A_235, %while3A_212, %rev3A_234 : vector<16xi1>, vector<16xi32>
        %masked_sort3A_238 = arith.constant dense<true> : vector<16xi1>
        %masked_sort3A_239, %masked_sort3A_240, %masked_sort3A_241 = tpu.sort %select_n3A_236, %select_n3A_237 masked %masked_sort3A_238 : (vector<16xf32>, vector<16xi32>, vector<16xi1>) -> (vector<16xi1>, vector<16xf32>, vector<16xi32>)
        %rev3A_242 = arith.constant 15 : i32
        %rev3A_243 = vector.broadcast %rev3A_242 : i32 to vector<16xi32>
        %rev3A_244 = tpu.iota {dimensions = array<i32: 0>} : vector<16xi32>
        %rev3A_245 = arith.subi %rev3A_243, %rev3A_244 : vector<16xi32>
        %rev3A_246 = tpu.dynamic_gather %masked_sort3A_240[%rev3A_245] in [0] : vector<16xf32>, vector<16xi32> -> vector<16xf32>
        %rev3A_247 = arith.constant 15 : i32
        %rev3A_248 = vector.broadcast %rev3A_247 : i32 to vector<16xi32>
        %rev3A_249 = tpu.iota {dimensions = array<i32: 0>} : vector<16xi32>
        %rev3A_250 = arith.subi %rev3A_248, %rev3A_249 : vector<16xi32>
        %rev3A_251 = tpu.dynamic_gather %masked_sort3A_241[%rev3A_250] in [0] : vector<16xi32>, vector<16xi32> -> vector<16xi32>
        %le3A_252 = arith.cmpf ole, %while3A_209, %rev3A_246 : vector<16xf32>
        %select_n3A_253 = arith.select %le3A_252, %while3A_209, %rev3A_246 : vector<16xi1>, vector<16xf32>
        %select_n3A_254 = arith.select %le3A_252, %while3A_210, %rev3A_251 : vector<16xi1>, vector<16xi32>
        %select_n3A_255 = arith.select %le3A_252, %rev3A_246, %while3A_209 : vector<16xi1>, vector<16xf32>
        %select_n3A_256 = arith.select %le3A_252, %rev3A_251, %while3A_210 : vector<16xi1>, vector<16xi32>
        %masked_sort3A_257 = arith.constant dense<true> : vector<16xi1>
        %masked_sort3A_258, %masked_sort3A_259, %masked_sort3A_260 = tpu.sort %select_n3A_253, %select_n3A_254 masked %masked_sort3A_257 : (vector<16xf32>, vector<16xi32>, vector<16xi1>) -> (vector<16xi1>, vector<16xf32>, vector<16xi32>)
        %masked_sort3A_261 = arith.constant dense<true> : vector<16xi1>
        %masked_sort3A_262, %masked_sort3A_263, %masked_sort3A_264 = tpu.sort %select_n3A_255, %select_n3A_256 masked %masked_sort3A_261 : (vector<16xf32>, vector<16xi32>, vector<16xi1>) -> (vector<16xi1>, vector<16xf32>, vector<16xi32>)
        scf.yield %masked_sort3A_259, %masked_sort3A_260, %masked_sort3A_263, %masked_sort3A_264 : vector<16xf32>, vector<16xi32>, vector<16xf32>, vector<16xi32>
      }
      %gather3A = tpu.vector_load_idx %arg10[%while3A_166#1] : memref<8192xf32, #tpu.memory_space<vmem>>[vector<16xi32>], vector<16xf32>,
      %gather3A_167 = tpu.vector_load_idx %arg11[%while3A_166#1] : memref<8192xf32, #tpu.memory_space<vmem>>[vector<16xi32>], vector<16xf32>,
      %gather3A_168 = tpu.vector_load_idx %arg12[%while3A_166#1] : memref<8192xf32, #tpu.memory_space<vmem>>[vector<16xi32>], vector<16xf32>,
      %mul3A_169 = arith.constant 32 : i32
      %mul3A_170 = arith.muli %scan3A_33, %mul3A_169 : i32
      %add3A_171 = arith.constant 0 : i32
      %add3A_172 = arith.addi %mul3A_170, %add3A_171 : i32
      %sub3A = vector.broadcast %squeeze3A : f32 to vector<16xf32>
      %sub3A_173 = arith.subf %gather3A, %sub3A : vector<16xf32>
      %swap3A_174 = arith.index_cast %add3A_172 : i32 to index
      %swap3A_175 = tpu.vector_load %arg19[%swap3A_174] {strides = array<i32>} : memref<8192xf32, #tpu.memory_space<vmem>>, vector<16xf32>,
      tpu.vector_store %arg19[%swap3A_174], %sub3A_173 {strides = array<i32>} : memref<8192xf32, #tpu.memory_space<vmem>>, vector<16xf32>,
      %sub3A_176 = vector.broadcast %squeeze3A_39 : f32 to vector<16xf32>
      %sub3A_177 = arith.subf %gather3A_167, %sub3A_176 : vector<16xf32>
      %swap3A_178 = arith.index_cast %add3A_172 : i32 to index
      %swap3A_179 = tpu.vector_load %arg20[%swap3A_178] {strides = array<i32>} : memref<8192xf32, #tpu.memory_space<vmem>>, vector<16xf32>,
      tpu.vector_store %arg20[%swap3A_178], %sub3A_177 {strides = array<i32>} : memref<8192xf32, #tpu.memory_space<vmem>>, vector<16xf32>,
      %sub3A_180 = vector.broadcast %squeeze3A_43 : f32 to vector<16xf32>
      %sub3A_181 = arith.subf %gather3A_168, %sub3A_180 : vector<16xf32>
      %swap3A_182 = arith.index_cast %add3A_172 : i32 to index
      %swap3A_183 = tpu.vector_load %arg21[%swap3A_182] {strides = array<i32>} : memref<8192xf32, #tpu.memory_space<vmem>>, vector<16xf32>,
      tpu.vector_store %arg21[%swap3A_182], %sub3A_181 {strides = array<i32>} : memref<8192xf32, #tpu.memory_space<vmem>>, vector<16xf32>,
      %swap3A_184 = arith.index_cast %add3A_172 : i32 to index
      %swap3A_185 = tpu.vector_load %arg18[%swap3A_184] {strides = array<i32>} : memref<8192xi32, #tpu.memory_space<vmem>>, vector<16xi32>,
      tpu.vector_store %arg18[%swap3A_184], %while3A_166#1 {strides = array<i32>} : memref<8192xi32, #tpu.memory_space<vmem>>, vector<16xi32>,
      %gather3A_186 = tpu.vector_load_idx %arg10[%while3A_166#3] : memref<8192xf32, #tpu.memory_space<vmem>>[vector<16xi32>], vector<16xf32>,
      %gather3A_187 = tpu.vector_load_idx %arg11[%while3A_166#3] : memref<8192xf32, #tpu.memory_space<vmem>>[vector<16xi32>], vector<16xf32>,
      %gather3A_188 = tpu.vector_load_idx %arg12[%while3A_166#3] : memref<8192xf32, #tpu.memory_space<vmem>>[vector<16xi32>], vector<16xf32>,
      %mul3A_189 = arith.constant 32 : i32
      %mul3A_190 = arith.muli %scan3A_33, %mul3A_189 : i32
      %add3A_191 = arith.constant 16 : i32
      %add3A_192 = arith.addi %mul3A_190, %add3A_191 : i32
      %sub3A_193 = vector.broadcast %squeeze3A : f32 to vector<16xf32>
      %sub3A_194 = arith.subf %gather3A_186, %sub3A_193 : vector<16xf32>
      %swap3A_195 = arith.index_cast %add3A_192 : i32 to index
      %swap3A_196 = tpu.vector_load %arg19[%swap3A_195] {strides = array<i32>} : memref<8192xf32, #tpu.memory_space<vmem>>, vector<16xf32>,
      tpu.vector_store %arg19[%swap3A_195], %sub3A_194 {strides = array<i32>} : memref<8192xf32, #tpu.memory_space<vmem>>, vector<16xf32>,
      %sub3A_197 = vector.broadcast %squeeze3A_39 : f32 to vector<16xf32>
      %sub3A_198 = arith.subf %gather3A_187, %sub3A_197 : vector<16xf32>
      %swap3A_199 = arith.index_cast %add3A_192 : i32 to index
      %swap3A_200 = tpu.vector_load %arg20[%swap3A_199] {strides = array<i32>} : memref<8192xf32, #tpu.memory_space<vmem>>, vector<16xf32>,
      tpu.vector_store %arg20[%swap3A_199], %sub3A_198 {strides = array<i32>} : memref<8192xf32, #tpu.memory_space<vmem>>, vector<16xf32>,
      %sub3A_201 = vector.broadcast %squeeze3A_43 : f32 to vector<16xf32>
      %sub3A_202 = arith.subf %gather3A_188, %sub3A_201 : vector<16xf32>
      %swap3A_203 = arith.index_cast %add3A_192 : i32 to index
      %swap3A_204 = tpu.vector_load %arg21[%swap3A_203] {strides = array<i32>} : memref<8192xf32, #tpu.memory_space<vmem>>, vector<16xf32>,
      tpu.vector_store %arg21[%swap3A_203], %sub3A_202 {strides = array<i32>} : memref<8192xf32, #tpu.memory_space<vmem>>, vector<16xf32>,
      %swap3A_205 = arith.index_cast %add3A_192 : i32 to index
      %swap3A_206 = tpu.vector_load %arg18[%swap3A_205] {strides = array<i32>} : memref<8192xi32, #tpu.memory_space<vmem>>, vector<16xi32>,
      tpu.vector_store %arg18[%swap3A_205], %while3A_166#3 {strides = array<i32>} : memref<8192xi32, #tpu.memory_space<vmem>>, vector<16xi32>,
      %scan3A_207 = arith.constant 0 : i32
      scf.yield %scan3A_207 : i32
    }
    %scan3A_18 = arith.constant 256 : i32
    %mul3A_19 = arith.constant 8192 : i32
    %mul3A_20 = arith.muli %add3A, %mul3A_19 : i32
    "tpu.region"() ({
      %run_scoped3A = tpu.sem_alloc : memref<!tpu.dma_semaphore, #tpu.memory_space<semaphore_mem>>
      %dma_start3A = tpu.memref_slice %arg8[%mul3A_20] : memref<262144xi32, #tpu.memory_space<hbm>> -> memref<8192xi32, #tpu.memory_space<hbm>>
      %dma_start3A_33 = tpu.memref_slice %arg8[%mul3A_20] : memref<262144xi32, #tpu.memory_space<hbm>> -> memref<8192xi32, #tpu.memory_space<hbm>>
      tpu.enqueue_dma source(%arg18 : memref<8192xi32, #tpu.memory_space<vmem>>) target(%dma_start3A_33 : memref<8192xi32, #tpu.memory_space<hbm>>) target_semaphore(%run_scoped3A : memref<!tpu.dma_semaphore, #tpu.memory_space<semaphore_mem>>)
      %dma_wait3A = tpu.memref_slice %arg8[%mul3A_20] : memref<262144xi32, #tpu.memory_space<hbm>> -> memref<8192xi32, #tpu.memory_space<hbm>>
      %dma_wait3A_34 = tpu.memref_slice %arg8[%mul3A_20] : memref<262144xi32, #tpu.memory_space<hbm>> -> memref<8192xi32, #tpu.memory_space<hbm>>
      tpu.wait_dma2 semaphore(%run_scoped3A : memref<!tpu.dma_semaphore, #tpu.memory_space<semaphore_mem>>) src(%arg18 : memref<8192xi32, #tpu.memory_space<vmem>>) dst(%dma_wait3A_34 : memref<8192xi32, #tpu.memory_space<hbm>>)
      tpu.yield
    }) : () -> ()
    %mul3A_21 = arith.constant 8192 : i32
    %mul3A_22 = arith.muli %add3A, %mul3A_21 : i32
    %add3A_23 = arith.constant 0 : i32
    %add3A_24 = arith.addi %add3A_23, %mul3A_22 : i32
    "tpu.region"() ({
      %run_scoped3A = tpu.sem_alloc : memref<!tpu.dma_semaphore, #tpu.memory_space<semaphore_mem>>
      %dma_start3A = tpu.memref_slice %arg9[%add3A_24] : memref<786432xf32, #tpu.memory_space<hbm>> -> memref<8192xf32, #tpu.memory_space<hbm>>
      %dma_start3A_33 = tpu.memref_slice %arg9[%add3A_24] : memref<786432xf32, #tpu.memory_space<hbm>> -> memref<8192xf32, #tpu.memory_space<hbm>>
      tpu.enqueue_dma source(%arg19 : memref<8192xf32, #tpu.memory_space<vmem>>) target(%dma_start3A_33 : memref<8192xf32, #tpu.memory_space<hbm>>) target_semaphore(%run_scoped3A : memref<!tpu.dma_semaphore, #tpu.memory_space<semaphore_mem>>)
      %dma_wait3A = tpu.memref_slice %arg9[%add3A_24] : memref<786432xf32, #tpu.memory_space<hbm>> -> memref<8192xf32, #tpu.memory_space<hbm>>
      %dma_wait3A_34 = tpu.memref_slice %arg9[%add3A_24] : memref<786432xf32, #tpu.memory_space<hbm>> -> memref<8192xf32, #tpu.memory_space<hbm>>
      tpu.wait_dma2 semaphore(%run_scoped3A : memref<!tpu.dma_semaphore, #tpu.memory_space<semaphore_mem>>) src(%arg19 : memref<8192xf32, #tpu.memory_space<vmem>>) dst(%dma_wait3A_34 : memref<8192xf32, #tpu.memory_space<hbm>>)
      tpu.yield
    }) : () -> ()
    %mul3A_25 = arith.constant 8192 : i32
    %mul3A_26 = arith.muli %add3A, %mul3A_25 : i32
    %add3A_27 = arith.constant 262144 : i32
    %add3A_28 = arith.addi %add3A_27, %mul3A_26 : i32
    "tpu.region"() ({
      %run_scoped3A = tpu.sem_alloc : memref<!tpu.dma_semaphore, #tpu.memory_space<semaphore_mem>>
      %dma_start3A = tpu.memref_slice %arg9[%add3A_28] : memref<786432xf32, #tpu.memory_space<hbm>> -> memref<8192xf32, #tpu.memory_space<hbm>>
      %dma_start3A_33 = tpu.memref_slice %arg9[%add3A_28] : memref<786432xf32, #tpu.memory_space<hbm>> -> memref<8192xf32, #tpu.memory_space<hbm>>
      tpu.enqueue_dma source(%arg20 : memref<8192xf32, #tpu.memory_space<vmem>>) target(%dma_start3A_33 : memref<8192xf32, #tpu.memory_space<hbm>>) target_semaphore(%run_scoped3A : memref<!tpu.dma_semaphore, #tpu.memory_space<semaphore_mem>>)
      %dma_wait3A = tpu.memref_slice %arg9[%add3A_28] : memref<786432xf32, #tpu.memory_space<hbm>> -> memref<8192xf32, #tpu.memory_space<hbm>>
      %dma_wait3A_34 = tpu.memref_slice %arg9[%add3A_28] : memref<786432xf32, #tpu.memory_space<hbm>> -> memref<8192xf32, #tpu.memory_space<hbm>>
      tpu.wait_dma2 semaphore(%run_scoped3A : memref<!tpu.dma_semaphore, #tpu.memory_space<semaphore_mem>>) src(%arg20 : memref<8192xf32, #tpu.memory_space<vmem>>) dst(%dma_wait3A_34 : memref<8192xf32, #tpu.memory_space<hbm>>)
      tpu.yield
    }) : () -> ()
    %mul3A_29 = arith.constant 8192 : i32
    %mul3A_30 = arith.muli %add3A, %mul3A_29 : i32
    %add3A_31 = arith.constant 524288 : i32
    %add3A_32 = arith.addi %add3A_31, %mul3A_30 : i32
    "tpu.region"() ({
      %run_scoped3A = tpu.sem_alloc : memref<!tpu.dma_semaphore, #tpu.memory_space<semaphore_mem>>
      %dma_start3A = tpu.memref_slice %arg9[%add3A_32] : memref<786432xf32, #tpu.memory_space<hbm>> -> memref<8192xf32, #tpu.memory_space<hbm>>
      %dma_start3A_33 = tpu.memref_slice %arg9[%add3A_32] : memref<786432xf32, #tpu.memory_space<hbm>> -> memref<8192xf32, #tpu.memory_space<hbm>>
      tpu.enqueue_dma source(%arg21 : memref<8192xf32, #tpu.memory_space<vmem>>) target(%dma_start3A_33 : memref<8192xf32, #tpu.memory_space<hbm>>) target_semaphore(%run_scoped3A : memref<!tpu.dma_semaphore, #tpu.memory_space<semaphore_mem>>)
      %dma_wait3A = tpu.memref_slice %arg9[%add3A_32] : memref<786432xf32, #tpu.memory_space<hbm>> -> memref<8192xf32, #tpu.memory_space<hbm>>
      %dma_wait3A_34 = tpu.memref_slice %arg9[%add3A_32] : memref<786432xf32, #tpu.memory_space<hbm>> -> memref<8192xf32, #tpu.memory_space<hbm>>
      tpu.wait_dma2 semaphore(%run_scoped3A : memref<!tpu.dma_semaphore, #tpu.memory_space<semaphore_mem>>) src(%arg21 : memref<8192xf32, #tpu.memory_space<vmem>>) dst(%dma_wait3A_34 : memref<8192xf32, #tpu.memory_space<hbm>>)
      tpu.yield
    }) : () -> ()
    return
  }
}

module attributes {stable_mosaic.version = 14 : i64} {
  func.func @_fps_body(%arg0: memref<16x8192xf32, #tpu.memory_space<vmem>>, %arg1: memref<16x8192xf32, #tpu.memory_space<vmem>>, %arg2: memref<16x8192xf32, #tpu.memory_space<vmem>>, %arg3: memref<16x512xi32, #tpu.memory_space<vmem>>, %arg4: memref<16x512xf32, #tpu.memory_space<vmem>>, %arg5: memref<16x512xf32, #tpu.memory_space<vmem>>, %arg6: memref<16x512xf32, #tpu.memory_space<vmem>>) attributes {dimension_semantics = [], scalar_prefetch = 0 : i64, scratch_operands = 0 : i64, tpu.core_type = #tpu.core_type<tc>} {
    %get3A = arith.constant 0 : index
    %get3A_0 = arith.constant 0 : index
    %get3A_1 = vector.load %arg0[%get3A, %get3A_0] : memref<16x8192xf32, #tpu.memory_space<vmem>>, vector<16x8192xf32>
    %get3A_2 = arith.constant 0 : index
    %get3A_3 = arith.constant 0 : index
    %get3A_4 = vector.load %arg1[%get3A_2, %get3A_3] : memref<16x8192xf32, #tpu.memory_space<vmem>>, vector<16x8192xf32>
    %get3A_5 = arith.constant 0 : index
    %get3A_6 = arith.constant 0 : index
    %get3A_7 = vector.load %arg2[%get3A_5, %get3A_6] : memref<16x8192xf32, #tpu.memory_space<vmem>>, vector<16x8192xf32>
    %iota3A = tpu.iota {dimensions = array<i32: 1>} : vector<16x8192xi32>
    %iota3A_8 = tpu.iota {dimensions = array<i32: 1>} : vector<16x512xi32>
    %broadcast_in_dim3A = arith.constant 0 : i32
    %broadcast_in_dim3A_9 = vector.broadcast %broadcast_in_dim3A : i32 to vector<16x512xi32>
    %swap3A = arith.constant 0 : index
    %swap3A_10 = arith.constant 0 : index
    %swap3A_11 = vector.load %arg3[%swap3A, %swap3A_10] : memref<16x512xi32, #tpu.memory_space<vmem>>, vector<16x512xi32>
    tpu.vector_store %arg3[%swap3A, %swap3A_10], %broadcast_in_dim3A_9 {strides = array<i32>} : memref<16x512xi32, #tpu.memory_space<vmem>>, vector<16x512xi32>,
    %broadcast_in_dim3A_12 = arith.constant 0.000000e+00 : f32
    %broadcast_in_dim3A_13 = vector.broadcast %broadcast_in_dim3A_12 : f32 to vector<16x512xf32>
    %swap3A_14 = arith.constant 0 : index
    %swap3A_15 = arith.constant 0 : index
    %swap3A_16 = vector.load %arg4[%swap3A_14, %swap3A_15] : memref<16x512xf32, #tpu.memory_space<vmem>>, vector<16x512xf32>
    tpu.vector_store %arg4[%swap3A_14, %swap3A_15], %broadcast_in_dim3A_13 {strides = array<i32>} : memref<16x512xf32, #tpu.memory_space<vmem>>, vector<16x512xf32>,
    %broadcast_in_dim3A_17 = arith.constant 0.000000e+00 : f32
    %broadcast_in_dim3A_18 = vector.broadcast %broadcast_in_dim3A_17 : f32 to vector<16x512xf32>
    %swap3A_19 = arith.constant 0 : index
    %swap3A_20 = arith.constant 0 : index
    %swap3A_21 = vector.load %arg5[%swap3A_19, %swap3A_20] : memref<16x512xf32, #tpu.memory_space<vmem>>, vector<16x512xf32>
    tpu.vector_store %arg5[%swap3A_19, %swap3A_20], %broadcast_in_dim3A_18 {strides = array<i32>} : memref<16x512xf32, #tpu.memory_space<vmem>>, vector<16x512xf32>,
    %broadcast_in_dim3A_22 = arith.constant 0.000000e+00 : f32
    %broadcast_in_dim3A_23 = vector.broadcast %broadcast_in_dim3A_22 : f32 to vector<16x512xf32>
    %swap3A_24 = arith.constant 0 : index
    %swap3A_25 = arith.constant 0 : index
    %swap3A_26 = vector.load %arg6[%swap3A_24, %swap3A_25] : memref<16x512xf32, #tpu.memory_space<vmem>>, vector<16x512xf32>
    tpu.vector_store %arg6[%swap3A_24, %swap3A_25], %broadcast_in_dim3A_23 {strides = array<i32>} : memref<16x512xf32, #tpu.memory_space<vmem>>, vector<16x512xf32>,
    %broadcast_in_dim3A_27 = arith.constant 1.000000e+10 : f32
    %broadcast_in_dim3A_28 = vector.broadcast %broadcast_in_dim3A_27 : f32 to vector<16x8192xf32>
    %broadcast_in_dim3A_29 = arith.constant 0 : i32
    %broadcast_in_dim3A_30 = vector.broadcast %broadcast_in_dim3A_29 : i32 to vector<16x1xi32>
    %scan3A = arith.constant 0 : i32
    %scan3A_31 = arith.constant 512 : i32
    %scan3A_32 = arith.addi %scan3A, %scan3A_31 : i32
    %scan3A_33 = arith.constant 1 : i32
    %scan3A_34:2 = scf.for %scan3A_36 = %scan3A to %scan3A_32 step %scan3A_33 iter_args(%scan3A_37 = %broadcast_in_dim3A_28, %scan3A_38 = %broadcast_in_dim3A_30) -> (vector<16x8192xf32>, vector<16x1xi32>)  : i32 {
      %eq3A = vector.broadcast %scan3A_38 : vector<16x1xi32> to vector<16x8192xi32>
      %eq3A_39 = arith.cmpi eq, %iota3A, %eq3A : vector<16x8192xi32>
      %jit3A = arith.constant 0.000000e+00 : f32
      %broadcast_in_dim3A_40 = vector.broadcast %jit3A : f32 to vector<16x8192xf32>
      %select_n3A = arith.select %eq3A_39, %get3A_1, %broadcast_in_dim3A_40 : vector<16x8192xi1>, vector<16x8192xf32>
      %reduce_sum3A = arith.constant dense<0.000000e+00> : vector<16xf32>
      %reduce_sum3A_41 = vector.multi_reduction <add>, %select_n3A, %reduce_sum3A [1] : vector<16x8192xf32> to vector<16xf32>
      %broadcast_in_dim3A_42 = vector.shape_cast %reduce_sum3A_41 : vector<16xf32> to vector<16x1xf32>
      %jit3A_43 = arith.constant 0.000000e+00 : f32
      %broadcast_in_dim3A_44 = vector.broadcast %jit3A_43 : f32 to vector<16x8192xf32>
      %select_n3A_45 = arith.select %eq3A_39, %get3A_4, %broadcast_in_dim3A_44 : vector<16x8192xi1>, vector<16x8192xf32>
      %reduce_sum3A_46 = arith.constant dense<0.000000e+00> : vector<16xf32>
      %reduce_sum3A_47 = vector.multi_reduction <add>, %select_n3A_45, %reduce_sum3A_46 [1] : vector<16x8192xf32> to vector<16xf32>
      %broadcast_in_dim3A_48 = vector.shape_cast %reduce_sum3A_47 : vector<16xf32> to vector<16x1xf32>
      %jit3A_49 = arith.constant 0.000000e+00 : f32
      %broadcast_in_dim3A_50 = vector.broadcast %jit3A_49 : f32 to vector<16x8192xf32>
      %select_n3A_51 = arith.select %eq3A_39, %get3A_7, %broadcast_in_dim3A_50 : vector<16x8192xi1>, vector<16x8192xf32>
      %reduce_sum3A_52 = arith.constant dense<0.000000e+00> : vector<16xf32>
      %reduce_sum3A_53 = vector.multi_reduction <add>, %select_n3A_51, %reduce_sum3A_52 [1] : vector<16x8192xf32> to vector<16xf32>
      %broadcast_in_dim3A_54 = vector.shape_cast %reduce_sum3A_53 : vector<16xf32> to vector<16x1xf32>
      %eq3A_55 = vector.broadcast %scan3A_36 : i32 to vector<16x512xi32>
      %eq3A_56 = arith.cmpi eq, %iota3A_8, %eq3A_55 : vector<16x512xi32>
      %get3A_57 = arith.constant 0 : index
      %get3A_58 = arith.constant 0 : index
      %get3A_59 = vector.load %arg3[%get3A_57, %get3A_58] : memref<16x512xi32, #tpu.memory_space<vmem>>, vector<16x512xi32>
      %jit3A_60 = arith.constant 0 : i32
      %broadcast_in_dim3A_61 = vector.shape_cast %scan3A_38 : vector<16x1xi32> to vector<16x1xi32>
      %broadcast_in_dim3A_62 = vector.broadcast %broadcast_in_dim3A_61 : vector<16x1xi32> to vector<16x512xi32>
      %broadcast_in_dim3A_63 = vector.broadcast %jit3A_60 : i32 to vector<16x512xi32>
      %select_n3A_64 = arith.select %eq3A_56, %broadcast_in_dim3A_62, %broadcast_in_dim3A_63 : vector<16x512xi1>, vector<16x512xi32>
      %add3A = arith.addi %get3A_59, %select_n3A_64 : vector<16x512xi32>
      %swap3A_65 = arith.constant 0 : index
      %swap3A_66 = arith.constant 0 : index
      %swap3A_67 = vector.load %arg3[%swap3A_65, %swap3A_66] : memref<16x512xi32, #tpu.memory_space<vmem>>, vector<16x512xi32>
      tpu.vector_store %arg3[%swap3A_65, %swap3A_66], %add3A {strides = array<i32>} : memref<16x512xi32, #tpu.memory_space<vmem>>, vector<16x512xi32>,
      %get3A_68 = arith.constant 0 : index
      %get3A_69 = arith.constant 0 : index
      %get3A_70 = vector.load %arg4[%get3A_68, %get3A_69] : memref<16x512xf32, #tpu.memory_space<vmem>>, vector<16x512xf32>
      %jit3A_71 = arith.constant 0.000000e+00 : f32
      %broadcast_in_dim3A_72 = vector.shape_cast %broadcast_in_dim3A_42 : vector<16x1xf32> to vector<16x1xf32>
      %broadcast_in_dim3A_73 = vector.broadcast %broadcast_in_dim3A_72 : vector<16x1xf32> to vector<16x512xf32>
      %broadcast_in_dim3A_74 = vector.broadcast %jit3A_71 : f32 to vector<16x512xf32>
      %select_n3A_75 = arith.select %eq3A_56, %broadcast_in_dim3A_73, %broadcast_in_dim3A_74 : vector<16x512xi1>, vector<16x512xf32>
      %add3A_76 = arith.addf %get3A_70, %select_n3A_75 : vector<16x512xf32>
      %swap3A_77 = arith.constant 0 : index
      %swap3A_78 = arith.constant 0 : index
      %swap3A_79 = vector.load %arg4[%swap3A_77, %swap3A_78] : memref<16x512xf32, #tpu.memory_space<vmem>>, vector<16x512xf32>
      tpu.vector_store %arg4[%swap3A_77, %swap3A_78], %add3A_76 {strides = array<i32>} : memref<16x512xf32, #tpu.memory_space<vmem>>, vector<16x512xf32>,
      %get3A_80 = arith.constant 0 : index
      %get3A_81 = arith.constant 0 : index
      %get3A_82 = vector.load %arg5[%get3A_80, %get3A_81] : memref<16x512xf32, #tpu.memory_space<vmem>>, vector<16x512xf32>
      %jit3A_83 = arith.constant 0.000000e+00 : f32
      %broadcast_in_dim3A_84 = vector.shape_cast %broadcast_in_dim3A_48 : vector<16x1xf32> to vector<16x1xf32>
      %broadcast_in_dim3A_85 = vector.broadcast %broadcast_in_dim3A_84 : vector<16x1xf32> to vector<16x512xf32>
      %broadcast_in_dim3A_86 = vector.broadcast %jit3A_83 : f32 to vector<16x512xf32>
      %select_n3A_87 = arith.select %eq3A_56, %broadcast_in_dim3A_85, %broadcast_in_dim3A_86 : vector<16x512xi1>, vector<16x512xf32>
      %add3A_88 = arith.addf %get3A_82, %select_n3A_87 : vector<16x512xf32>
      %swap3A_89 = arith.constant 0 : index
      %swap3A_90 = arith.constant 0 : index
      %swap3A_91 = vector.load %arg5[%swap3A_89, %swap3A_90] : memref<16x512xf32, #tpu.memory_space<vmem>>, vector<16x512xf32>
      tpu.vector_store %arg5[%swap3A_89, %swap3A_90], %add3A_88 {strides = array<i32>} : memref<16x512xf32, #tpu.memory_space<vmem>>, vector<16x512xf32>,
      %get3A_92 = arith.constant 0 : index
      %get3A_93 = arith.constant 0 : index
      %get3A_94 = vector.load %arg6[%get3A_92, %get3A_93] : memref<16x512xf32, #tpu.memory_space<vmem>>, vector<16x512xf32>
      %jit3A_95 = arith.constant 0.000000e+00 : f32
      %broadcast_in_dim3A_96 = vector.shape_cast %broadcast_in_dim3A_54 : vector<16x1xf32> to vector<16x1xf32>
      %broadcast_in_dim3A_97 = vector.broadcast %broadcast_in_dim3A_96 : vector<16x1xf32> to vector<16x512xf32>
      %broadcast_in_dim3A_98 = vector.broadcast %jit3A_95 : f32 to vector<16x512xf32>
      %select_n3A_99 = arith.select %eq3A_56, %broadcast_in_dim3A_97, %broadcast_in_dim3A_98 : vector<16x512xi1>, vector<16x512xf32>
      %add3A_100 = arith.addf %get3A_94, %select_n3A_99 : vector<16x512xf32>
      %swap3A_101 = arith.constant 0 : index
      %swap3A_102 = arith.constant 0 : index
      %swap3A_103 = vector.load %arg6[%swap3A_101, %swap3A_102] : memref<16x512xf32, #tpu.memory_space<vmem>>, vector<16x512xf32>
      tpu.vector_store %arg6[%swap3A_101, %swap3A_102], %add3A_100 {strides = array<i32>} : memref<16x512xf32, #tpu.memory_space<vmem>>, vector<16x512xf32>,
      %sub3A = vector.broadcast %broadcast_in_dim3A_42 : vector<16x1xf32> to vector<16x8192xf32>
      %sub3A_104 = arith.subf %get3A_1, %sub3A : vector<16x8192xf32>
      %sub3A_105 = vector.broadcast %broadcast_in_dim3A_48 : vector<16x1xf32> to vector<16x8192xf32>
      %sub3A_106 = arith.subf %get3A_4, %sub3A_105 : vector<16x8192xf32>
      %sub3A_107 = vector.broadcast %broadcast_in_dim3A_54 : vector<16x1xf32> to vector<16x8192xf32>
      %sub3A_108 = arith.subf %get3A_7, %sub3A_107 : vector<16x8192xf32>
      %mul3A = arith.mulf %sub3A_104, %sub3A_104 : vector<16x8192xf32>
      %mul3A_109 = arith.mulf %sub3A_106, %sub3A_106 : vector<16x8192xf32>
      %add3A_110 = arith.addf %mul3A, %mul3A_109 : vector<16x8192xf32>
      %mul3A_111 = arith.mulf %sub3A_108, %sub3A_108 : vector<16x8192xf32>
      %add3A_112 = arith.addf %add3A_110, %mul3A_111 : vector<16x8192xf32>
      %min3A = arith.minimumf %scan3A_37, %add3A_112 : vector<16x8192xf32>
      %reduce_max3A = arith.constant dense<0xFF800000> : vector<16xf32>
      %reduce_max3A_113 = vector.multi_reduction <maximumf>, %min3A, %reduce_max3A [1] : vector<16x8192xf32> to vector<16xf32>
      %broadcast_in_dim3A_114 = vector.shape_cast %reduce_max3A_113 : vector<16xf32> to vector<16x1xf32>
      %eq3A_115 = vector.broadcast %broadcast_in_dim3A_114 : vector<16x1xf32> to vector<16x8192xf32>
      %eq3A_116 = arith.cmpf oeq, %min3A, %eq3A_115 : vector<16x8192xf32>
      %jit3A_117 = arith.constant 8192 : i32
      %broadcast_in_dim3A_118 = vector.broadcast %jit3A_117 : i32 to vector<16x8192xi32>
      %select_n3A_119 = arith.select %eq3A_116, %iota3A, %broadcast_in_dim3A_118 : vector<16x8192xi1>, vector<16x8192xi32>
      %reduce_min3A = arith.constant dense<2147483647> : vector<16xi32>
      %reduce_min3A_120 = vector.multi_reduction <minsi>, %select_n3A_119, %reduce_min3A [1] : vector<16x8192xi32> to vector<16xi32>
      %broadcast_in_dim3A_121 = vector.shape_cast %reduce_min3A_120 : vector<16xi32> to vector<16x1xi32>
      scf.yield %min3A, %broadcast_in_dim3A_121 : vector<16x8192xf32>, vector<16x1xi32>
    }
    %scan3A_35 = arith.constant 512 : i32
    return
  }
}

</mosaic_0001>

<sc_bundles>
// kernel: kernel.4.cloned.1.call-start
scs
__scs_entry_jumppad:
0x0: {  	(pc) =	sbr.rel $0x88, $3  }
0x1: {  	(tag) =	ssettag $0x0;
	lr =	simm.s32 $0x1  }
0x2: {  	[smem:$0x3FA0] =	sst lr;
	_ =	strace $0xD0000000  }
0x3: {  	_ = 	snop  }
0x4: {  	_ = 	snop  }
0x5: {  	_ = 	snop  }
0x6: {  	_ = 	snop  }
0x7: {  	_ = 	snop  }
__scs_overlays_trampoline_lowered:
0x8: {  	[smem:$0x3FAF] =	sst s0  }
0x9: {  	[smem:$0x3FB0] =	sst s1  }
0xa: {  	[smem:$0x3FB1] =	sst s2  }
0xb: {  	[smem:$0x3FB2] =	sst s3  }
0xc: {  	[smem:$0x3FB3] =	sst s4  }
0xd: {  	[smem:$0x3FB4] =	sst s5  }
0xe: {  	[smem:$0x3FB5] =	sst s6  }
0xf: {  	[smem:$0x3FB6] =	sst s7  }
0x10: {  	[smem:$0x3FB7] =	sst s8  }
0x11: {  	[smem:$0x3FB8] =	sst s9;
	s0 =	simm.s32 @!p0 $0x0  }
0x12: {  	s1 =	sld [smem:$0x3F9E];
	s0 =	simm.s32 @p0 $0x1  }
0x13: {  	[smem:$0x3FB9] =	sst s0;
	s0 =	simm.s32 @!p1 $0x0  }
0x14: {  	s2 =	sld [smem:$0x3F9D];
	s0 =	simm.s32 @p1 $0x1  }
0x15: {  	[smem:$0x3FBA] =	sst s0;
	s0 =	simm.s32 @!p2 $0x0  }
0x16: {  	s3 =	sld [smem:$0x3FDB];
	s0 =	simm.s32 @p2 $0x1  }
0x17: {  	s4 =	simm.s32 $0x1BF5;
	[smem:$0x3FBC] =	sst s0  }
0x18: {  	s0 =	sld [smem:$0x3F9F];
	_ =	swait.ge [sflag:s4], $0x0  }
0x19: {  	s7 =	sld [smem:$0x3FA0]  }
0x1a: {  	s8 =	sadd.s32 $0xFFFFE003, lr  }
0x1b: {  	s9 =	sadd.s32 $0xFFFFFEF7, lr;
	s5 =	simm.s32 $0xFFFFFFFF;
	p2 =	slt.u32 s8, $0xFFFFF086  }
0x1c: {  	p1 =	slt.u32 s9, $0xF7A;
	s5 =	simm.s32 @!p2 $0x0  }
0x1d: {  	s5 =	simm.s32 @p1 $0x1;
	p0 =	seq.s32 s7, s2  }
0x1e: {  	s7 =	smul.u32 @!p0 $0xF7A, s2;
	p2 =	seq.s32 @!p0 s5, $0x0  }
0x1f: {  	s9 =	smul.u32 $0xF7A, s1;
	s8 =	simm.s32 @!p0 $0x1BF5;
	p2 =	por !p2, p0  }
0x20: {  	[sflag:s8] =	ssyncset.s32 @!p0 $0xFFFFF086;
	s6 =	sadd.s32 @!p0 s3, s7;
	s7 =	simm.s32 @!p0 $0x108  }
0x21: {  	s3 =	sadd.s32 s3, s9;
	s6 =	sadd.s32 @!p0 $0x88, s6;
	s7 =	simm.s32 @p2 $0x1082  }
0x22: {  	[simem:s7], [sflag:s8] =	dma.local @!p0 [hbm:s6], $0xF7A  }
0x23: {  	s9 =	sor.u32 $0xD0000000, s2;
	s6 =	simm.s32 $0x108;
	_ =	swait.ge @!p0 [sflag:s8], $0x0  }
0x24: {  	s3 =	sadd.s32 $0x88, s3;
	s6 =	simm.s32 @!p1 $0x1082;
	[sflag:s4] =	ssyncset.s32 $0xFFFFF086  }
0x25: {  	[simem:s6], [sflag:s4] =	dma.local [hbm:s3], $0xF7A  }
0x26: {  	[smem:$0x3FA0] =	sst s1;
	(tag) =	ssettag s2;
	_ =	strace s9  }
0x27: {  	s1 =	sld [smem:$0x3FB0]  }
0x28: {  	s2 =	sld [smem:$0x3FB1]  }
0x29: {  	s4 =	sld [smem:$0x3FB3]  }
0x2a: {  	p0 =	seq.s32 s5, $0x0;
	s5 =	sld [smem:$0x3FB4]  }
0x2b: {  	s6 =	sld [smem:$0x3FB5]  }
0x2c: {  	s7 =	sld [smem:$0x3FB6]  }
0x2d: {  	s3 =	simm.s32 $0x108;
	s8 =	sld [smem:$0x3FB7]  }
0x2e: {  	s3 =	simm.s32 @!p0 $0x1082;
	s9 =	sld [smem:$0x3FB8]  }
0x2f: {  	lr =	sadd.s32 s0, s3;
	s0 =	sld [smem:$0x3FAF]  }
0x30: {  	s3 =	sld [smem:$0x3FB2]  }
0x31: {  	[smem:$0x3FBB] =	sst s10  }
0x32: {  	s10 =	sld [smem:$0x3FB9];
	_ =	sdelay $0x3  }
0x33: {  	p0 =	seq.s32 s10, $0x1;
	s10 =	sld [smem:$0x3FBB];
	_ =	sdelay $0x3  }
0x34: {  	[smem:$0x3FBB] =	sst s10  }
0x35: {  	s10 =	sld [smem:$0x3FBA];
	_ =	sdelay $0x3  }
0x36: {  	p1 =	seq.s32 s10, $0x1;
	s10 =	sld [smem:$0x3FBB];
	_ =	sdelay $0x3  }
0x37: {  	[smem:$0x3FBB] =	sst s10  }
0x38: {  	s10 =	sld [smem:$0x3FBC]  }
0x39: {  	_ = 	snop;
	(pc) =	sbr.ind lr, $3  }
0x3a: {  	_ = 	snop  }
0x3b: {  	_ = 	snop  }
0x3c: {  	p2 =	seq.s32 s10, $0x1;
	s10 =	sld [smem:$0x3FBB]  }
0x3d: {  	_ =	shalt  }
0x3e: {  	_ =	shalt  }
0x3f: {  	_ =	shalt  }
0x40: {  	_ =	shalt  }
0x41: {  	_ =	shalt  }
0x42: {  	_ =	shalt  }
0x43: {  	_ =	shalt  }
0x44: {  	_ =	shalt  }
0x45: {  	_ =	shalt  }
0x46: {  	_ =	shalt  }
0x47: {  	_ =	shalt  }
0x48: {  	_ =	shalt  }
0x49: {  	_ =	shalt  }
0x4a: {  	_ =	shalt  }
0x4b: {  	_ =	shalt  }
0x4c: {  	_ =	shalt  }
0x4d: {  	_ =	shalt  }
0x4e: {  	_ =	shalt  }
0x4f: {  	_ =	shalt  }
0x50: {  	_ =	shalt  }
0x51: {  	_ =	shalt  }
0x52: {  	_ =	shalt  }
0x53: {  	_ =	shalt  }
0x54: {  	_ =	shalt  }
0x55: {  	_ =	shalt  }
0x56: {  	_ =	shalt  }
0x57: {  	_ =	shalt  }
0x58: {  	_ =	shalt  }
0x59: {  	_ =	shalt  }
0x5a: {  	_ =	shalt  }
0x5b: {  	_ =	shalt  }
0x5c: {  	_ =	shalt  }
0x5d: {  	_ =	shalt  }
0x5e: {  	_ =	shalt  }
0x5f: {  	_ =	shalt  }
0x60: {  	_ =	shalt  }
0x61: {  	_ =	shalt  }
0x62: {  	_ =	shalt  }
0x63: {  	_ =	shalt  }
0x64: {  	_ =	shalt  }
0x65: {  	_ =	shalt  }
0x66: {  	_ =	shalt  }
0x67: {  	_ =	shalt  }
0x68: {  	_ =	shalt  }
0x69: {  	_ =	shalt  }
0x6a: {  	_ =	shalt  }
0x6b: {  	_ =	shalt  }
0x6c: {  	_ =	shalt  }
0x6d: {  	_ =	shalt  }
0x6e: {  	_ =	shalt  }
0x6f: {  	_ =	shalt  }
0x70: {  	_ =	shalt  }
0x71: {  	_ =	shalt  }
0x72: {  	_ =	shalt  }
0x73: {  	_ =	shalt  }
0x74: {  	_ =	shalt  }
0x75: {  	_ =	shalt  }
0x76: {  	_ =	shalt  }
0x77: {  	_ =	shalt  }
0x78: {  	_ =	shalt  }
0x79: {  	_ =	shalt  }
0x7a: {  	_ =	shalt  }
0x7b: {  	_ =	shalt  }
0x7c: {  	_ =	shalt  }
0x7d: {  	_ =	shalt  }
0x7e: {  	_ =	shalt  }
0x7f: {  	_ =	shalt  }
0x80: {  	_ =	shalt  }
0x81: {  	_ =	shalt  }
0x82: {  	_ =	shalt  }
0x83: {  	_ =	shalt  }
0x84: {  	_ =	shalt  }
0x85: {  	_ =	shalt  }
0x86: {  	_ =	shalt  }
0x87: {  	_ =	shalt  }
.Lfunc_end0:
.L_simem_size_0:
called_computation_lowered:
.L_overlay_start_0:
0x88: {  	s2 =	sld [smem:$0x3FD9]  }
0x89: {  	s3 =	sld [smem:$0x3FFE];
	_ =	sdelay $0x1  }
0x8a: {  	s1 =	srdreg.scid  }
0x8b: {  	s0 =	sand.u32 $0x1, s1  }
0x8c: {  	s14 =	sshll.u32 s0, $0xA;
	s2 =	sadd.s32 s3, s2  }
0x8d: {  	s2 =	sadd.s32 s2, s14  }
0x8e: {  	[smem:$0x3FC7] =	sst s2  }
0x8f: {  	_ = 	snop  }
0x90: {  	s2 =	sld [smem:$0x3FD0];
	_ =	sdelay $0x2  }
0x91: {  	s15 =	simm.s32 $0xA;
	s4 =	simm.s32 $0x10  }
0x92: {  	[smem:s4], [sflag:s15] =	dma.local [hbm:s2], $0x1  }
0x93: {  	_ =	swait.eq [sflag:s15], $0x1  }
0x94: {  	[sflag:s15] =	ssyncset.done $0x0  }
0x95: {  	s16 =	sld [smem:$0x10];
	[sflag:s15] =	ssyncadd.s32 $0xFFFFFFFF  }
0x96: {  	s17 =	sld [smem:$0x12];
	(tm) =	ssettm $0x1  }
0x97: {  	s18 =	sld [smem:$0x3FFB];
	_ =	sdelay $0x3  }
0x98: {  	_ =	strace s18  }
0x99: {  	s4 =	sld [smem:$0x3FFC];
	_ =	sdelay $0x3  }
0x9a: {  	_ =	strace s4  }
0x9b: {  	s4 =	sld [smem:$0x3FFD];
	_ =	sdelay $0x3  }
0x9c: {  	_ =	strace s4  }
0x9d: {  	_ =	strace $0x8FFFFFFF  }
0x9e: {  	s19 =	sld [smem:$0x3FDB];
	_ =	sdelay $0x1  }
0x9f: {  	s5 =	simm.s32 $_scs_section_size  }
0xa0: {  	s6 =	simm.s32 $_size__tile_overlayer_lowered;
	s7 =	simm.s32 $_tile_overlayer_lowered  }
0xa1: {  	s22 =	simm.s32 $0x1BFF;
	s21 =	sshll.u32 s7, $0x1;
	s4 =	sadd.s32 s5, s19  }
0xa2: {  	s8 =	simm.s32 $0x0;
	s20 =	sshll.u32 s6, $0x1;
	s6 =	sadd.s32 s21, s4  }
0xa3: {  	[timem:s8], [sflag:s22] =	dma.local [hbm:s6], s20  }
0xa4: {  	_ =	swait.ge [sflag:s22], s20  }
0xa5: {  	s5 =	ssub.s32 $0x0, s20;
	[sflag:s22] =	ssyncset.done $0x0  }
0xa6: {  	[sflag:s22] =	ssyncadd.s32 s5;
	_ =	sdelay $0x1  }
0xa7: {  	s23 =	simm.s32 $0x1B8B  }
0xa8: {  	_ =	swait.ge [sflag:s23], $0x1  }
0xa9: {  	[sflag:s23] =	ssyncset.done $0x0  }
0xaa: {  	s25 =	simm.s32 $0x1B8E;
	s24 =	sld [smem:$0x3FFE];
	[sflag:s23] =	ssyncadd.s32 $0xFFFFFFFF  }
0xab: {  	s26 =	simm.s32 $execute0_lowered;
	[smem:$0x3FD2] =	sst s25  }
0xac: {  	s6 =	sshll.u32 s26, $0x1;
	_ =	strace $0x80000046;
	[dreg:$0x1] =	wrdreg $0xFFFFFFFF  }
0xad: {  	s28 =	simm.s32 $_size_execute0_lowered;
	s4 =	sadd.s32 s4, s6;
	[dreg:$0x0] =	wrdreg $0x0  }
0xae: {  	s6 =	sshll.u32 s28, $0x1;
	[dreg:$0x2] =	wrdreg s4  }
0xaf: {  	[dreg:$0x3] =	wrdreg s6  }
0xb0: {  	[dreg:$0x4] =	wrdreg $0xC0  }
0xb1: {  	_ =	task [dreg:s8], $0x5FFFF  }
0xb2: {  	[dreg:$0x1] =	wrdreg $0xFFFFFFFF  }
0xb3: {  	[dreg:$0x0] =	wrdreg $0x60  }
0xb4: {  	[dreg:$0x2] =	wrdreg s24  }
0xb5: {  	[dreg:$0x3] =	wrdreg s17  }
0xb6: {  	[dreg:$0x4] =	wrdreg s16  }
0xb7: {  	[dreg:$0x5] =	wrdreg $0x9  }
0xb8: {  	_ =	task.clear_ibuf [dreg:s8], $0x6FFFF;
	_ =	strace $0x90000046  }
0xb9: {  	s29 =	simm.s32 $0x9;
	_ =	strace $0x80000048  }
0xba: {  	_ =	swait.ge [sflag:s29], $0x1  }
0xbb: {  	[sflag:s29] =	ssyncadd.s32 $0xFFFFFFFF  }
0xbc: {  	_ =	strace $0x90000048  }
0xbd: {  	_ =	sfence  }
0xbe: {  	s30 =	sld [smem:$0x0];
	_ =	sdelay $0x2  }
0xbf: {  	s31 =	sshll.u32 s1, $0xD;
	s1 =	sshrl.u32 s1, $0x2  }
0xc0: {  	s3 =	sand.u32 $0x4000, s31;
	s1 =	sadd.s32 s1, s30  }
0xc1: {  	s0 =	sor.u32 s3, s0;
	s1 =	sshll.u32 s1, $0x11  }
0xc2: {  	s0 =	sor.u32 s1, s0  }
0xc3: {  	s0 =	sadd.s32 $0x8F2B, s0  }
0xc4: {  	[sflag:s0] =	ssyncadd.remote.s32 $0x1  }
0xc5: {  	_ =	sfence.sel $0xFFFF  }
0xc6: {  	[dreg:$0x0] =	wrdreg $0xFFFFFFFF;
	(pc) =	sbr.abs _section_cstart, $3  }
0xc7: {  	[dreg:$0x1] =	wrdreg $0xFFFFFFFF  }
0xc8: {  	_ =	task.clear_ibuf [dreg:s8], $0x2FFFF;
	_ =	strace $0x9FFFFFFF  }
0xc9: {  	(tm) =	ssettm $0x7FFFFFFF  }
tec
execute0_lowered:
.L_overlay_start_1:
0x0: {  	(tag) =	ssettag $0x1  }
0x1: {  	s0 =	rddreg [dreg:$0x0]  }
0x2: {  	s1 =	rddreg [dreg:$0x1]  }
0x3: {  	s8 =	rddreg [dreg:$0x2];
	s2 =	simm.s32 $0x0  }
0x4: {  	s3 =	srdreg.scid;
	s9 =	stileid.u32;
	s14 =	simm.s32 $0x1  }
0x5: {  	s15 =	simm.s32 $0x2000;
	s16 =	simm.s32 $0x4000;
	s17 =	simm.s32 $0x6000  }
0x6: {  	s18 =	simm.s32 $0x6180;
	s19 =	simm.s32 $0x6300;
	s20 =	simm.s32 $0x6480  }
0x7: {  	s21 =	simm.s32 $0x6680;
	s22 =	simm.s32 $0x6880;
	s23 =	simm.s32 $0x8880  }
0x8: {  	s24 =	simm.s32 $0xA880;
	s25 =	simm.s32 $0xC880;
	s26 =	simm.s32 $0x0  }
0x9: {  	[smem:$0x7FF] =	sst s2;
	s4 =	sand.u32 $0x1, s3;
	s28 =	sshll.u32 s9, $0x6  }
0xa: {  	s7 =	sshll.u32 s9, $0xA;
	s30 =	sshll.u32 s9, $0xB;
	_ =	strace $0x80000047  }
0xb: {  	s5 =	sshll.u32 s4, $0x5;
	s6 =	ssub.s32 $0x2, s4;
	s7 =	sadd.s32 s7, s0  }
0xc: {  	s31 =	sshll.u32 s4, $0xA;
	s3 =	sor.u32 s5, s28;
	s29 =	sshrl.u32 s6, $0x1  }
.Ltmp0:
0xd: {  	s4 =	sadd.s32 $0x5A00, s7;
	s5 =	sadd.s32 $0x9A00, s7;
	(pc) =	sbr.rel .LBB2_1-.Ltmp0, $4  }
0xe: {  	s10 =	sor.u32 s31, s30;
	s0 =	sadd.s32 s3, s0;
	s13 =	ssub.s32 s6, s29  }
0xf: {  	s3 =	sadd.s32 $0x1A00, s7;
	s8 =	sadd.s32 s8, s10;
	s10 =	sadd.s32 s1, s10  }
0x10: {  	s6 =	sadd.s32 $0x1200, s0;
	s7 =	sadd.s32 $0xE00, s0;
	s9 =	sadd.s32 $0x1600, s0  }
0x11: {  	v0 =	vimm.s32 $0x0;
	v1 =	vlaneseq.u32;
	v2 =	vimm.f32 $+Inf;
	s11 =	sadd.s32 $0x8000, s8;
	s12 =	sadd.s32 $0x10000, s8;
	s13 =	smax.u32 s13, $0x1  }
.LBB2_21:
0x12: {  	[hbm4b:s10+s2] =	stream.linear.scatter [tilespmem:s22], [sflag:$0x1], $0x2000, $0x38;
	[tilespmem:$0xE880] =	vst v63  }
0x13: {  	_ =	swait.ge [sflag:s14], $0x2000  }
0x14: {  	[sflag:s14] =	ssyncset.done $0x0  }
0x15: {  	[sflag:s14] =	ssyncadd.s32 $0xFFFFE000  }
0x16: {  	[hbm4b:s8+s2] =	stream.linear.scatter [tilespmem:s23], [sflag:$0x1], $0x2000, $0x38;
	[tilespmem:$0xE880] =	vst v63  }
0x17: {  	_ =	swait.ge [sflag:s14], $0x2000  }
0x18: {  	[sflag:s14] =	ssyncset.done $0x0  }
0x19: {  	[sflag:s14] =	ssyncadd.s32 $0xFFFFE000  }
0x1a: {  	[hbm4b:s11+s2] =	stream.linear.scatter [tilespmem:s24], [sflag:$0x1], $0x2000, $0x38;
	[tilespmem:$0xE880] =	vst v63  }
0x1b: {  	s26 =	sadd.s32 $0x1, s26;
	_ =	swait.ge [sflag:s14], $0x2000  }
0x1c: {  	p0 =	sne.s32 s26, s13;
	[sflag:s14] =	ssyncset.done $0x0  }
.Ltmp1:
0x1d: {  	[sflag:s14] =	ssyncadd.s32 $0xFFFFE000;
	(pc) =	sbr.rel @!p0 .LBB2_22-.Ltmp1, $4  }
0x1e: {  	[hbm4b:s12+s2] =	stream.linear.scatter [tilespmem:s25], [sflag:$0x1], $0x2000, $0x38;
	[tilespmem:$0xE880] =	vst v63  }
0x1f: {  	_ =	swait.ge [sflag:s14], $0x2000  }
0x20: {  	[sflag:s14] =	ssyncset.done $0x0  }
0x21: {  	[sflag:s14] =	ssyncadd.s32 $0xFFFFE000  }
.LBB2_1:
0x22: {  	[tilespmem:s2], [sflag:$0x1] =	stream.linear.gather [hbm4b:s3+s2], $0x2000, $0x38;
	[tilespmem:$0xE880] =	vst v63  }
0x23: {  	_ =	swait.ge [sflag:s14], $0x2000  }
0x24: {  	[sflag:s14] =	ssyncset.done $0x0  }
0x25: {  	[sflag:s14] =	ssyncadd.s32 $0xFFFFE000  }
0x26: {  	[tilespmem:s15], [sflag:$0x1] =	stream.linear.gather [hbm4b:s4+s2], $0x2000, $0x38;
	[tilespmem:$0xE880] =	vst v63  }
0x27: {  	_ =	swait.ge [sflag:s14], $0x2000  }
0x28: {  	[sflag:s14] =	ssyncset.done $0x0  }
0x29: {  	[sflag:s14] =	ssyncadd.s32 $0xFFFFE000  }
0x2a: {  	[tilespmem:s16], [sflag:$0x1] =	stream.linear.gather [hbm4b:s5+s2], $0x2000, $0x38;
	[tilespmem:$0xE880] =	vst v63  }
0x2b: {  	_ =	swait.ge [sflag:s14], $0x2000  }
0x2c: {  	[sflag:s14] =	ssyncset.done $0x0  }
0x2d: {  	[sflag:s14] =	ssyncadd.s32 $0xFFFFE000  }
0x2e: {  	[tilespmem:s17], [sflag:$0x1] =	stream.linear.gather [hbm4b:s6+s2], $0x100, $0x38;
	[tilespmem:$0xE880] =	vst v63  }
0x2f: {  	_ =	swait.ge [sflag:s14], $0x100  }
0x30: {  	[sflag:s14] =	ssyncset.done $0x0  }
0x31: {  	[sflag:s14] =	ssyncadd.s32 $0xFFFFFF00  }
0x32: {  	[tilespmem:s18], [sflag:$0x1] =	stream.linear.gather [hbm4b:s7+s2], $0x100, $0x38;
	[tilespmem:$0xE880] =	vst v63  }
0x33: {  	_ =	swait.ge [sflag:s14], $0x100  }
0x34: {  	[sflag:s14] =	ssyncset.done $0x0  }
.Ltmp2:
0x35: {  	[sflag:s14] =	ssyncadd.s32 $0xFFFFFF00;
	(pc) =	sbr.rel .LBB2_2-.Ltmp2, $4  }
0x36: {  	[tilespmem:s19], [sflag:$0x1] =	stream.linear.gather [hbm4b:s9+s2], $0x100, $0x38;
	[tilespmem:$0xE880] =	vst v63  }
0x37: {  	_ =	swait.ge [sflag:s14], $0x100  }
0x38: {  	[sflag:s14] =	ssyncset.done $0x0  }
0x39: {  	s28 =	simm.s32 $0x0;
	[sflag:s14] =	ssyncadd.s32 $0xFFFFFF00  }
.LBB2_15:
0x3a: {  	v12 =	vmov v9;
	v11 =	vmov v7  }
.LBB2_19:
0x3b: {  	_ =	sdelay $0x4  }
0x3c: {  	v13, v14, _ =	vpop @p0 (xrf1)  }
0x3d: {  	v13 =	vperm.xlane @p0 v13, v8  }
0x3e: {  	v14 =	vperm.xlane @p0 v14, v8  }
0x3f: {  	vm0 =	vle.f32 @p0 v12, v13  }
0x40: {  	v15 =	vsel @p0 vm0, v13, v12;
	v16 =	vsel @p0 vm0, v14, v11  }
0x41: {  	(xrf1) =	vsort.ascd.msk.f32 @p0 $0xffff, v15, v16;
	_ =	sdelay $0xc  }
0x42: {  	v15, v16, _ =	vpop (xrf1)  }
0x43: {  	v15 =	vperm.xlane v15, v8;
	v17, v18, _ =	vpop @p0 (xrf1)  }
0x44: {  	v12 =	vsel @p0 vm0, v12, v13;
	v63 =	vperm.xlane v16, v8;
	v10 =	vpsel p0, v17, v10  }
0x45: {  	v11 =	vsel @p0 vm0, v11, v14;
	v6 =	vpsel p0, v18, v6;
	vm14 =	vle.f32 v10, v15  }
0x46: {  	(xrf1) =	vsort.ascd.msk.f32 @p0 $0xffff, v12, v11;
	v10 =	vsel vm14, v10, v15;
	v6 =	vsel vm14, v6, v63  }
0x47: {  	(xrf1) =	vsort.ascd.msk.f32 $0xffff, v10, v6;
	_ =	sdelay $0xc  }
0x48: {  	v6, v10, _ =	vpop @p0 (xrf1)  }
0x49: {  	v11, v12, _ =	vpop (xrf1)  }
0x4a: {  	v11 =	vperm.xlane v11, v8  }
0x4b: {  	v6 =	vpsel p0, v6, v9;
	v8 =	vperm.xlane v12, v8  }
0x4c: {  	v7 =	vpsel p0, v10, v7;
	vm15 =	vle.f32 v6, v11  }
0x4d: {  	v9 =	vsel vm15, v11, v6;
	v10 =	vsel vm15, v8, v7  }
0x4e: {  	(xrf1) =	vsort.ascd.msk.f32 $0xffff, v9, v10  }
0x4f: {  	v6 =	vsel vm15, v6, v11;
	v7 =	vsel vm15, v7, v8  }
0x50: {  	(xrf1) =	vsort.ascd.msk.f32 $0xffff, v6, v7;
	_ =	sdelay $0xb  }
0x51: {  	v7, v6, _ =	vpop (xrf1);
	_ =	sdelay $0x1  }
0x52: {  	v8, v7, _ =	vpop (xrf1)  }
.LBB2_20:
0x53: {  	_ =	sdelay $0x3  }
0x54: {  	v8 =	vld.idx.msk [tilespmem:v7+s2+$0x0], $0xffff  }
0x55: {  	v9 =	vld.idx.msk [tilespmem:v7+s15+$0x0], $0xffff  }
0x56: {  	v10 =	vld.idx.msk [tilespmem:v7+s16+$0x0], $0xffff;
	_ =	sdelay $0x2  }
0x57: {  	s0 =	sshll.u32 s28, $0x5;
	v8 =	vsub.f32 v8, v3  }
0x58: {  	[tilespmem:s0+$0x6880] =	vst v7;
	v9 =	vsub.f32 v9, v4  }
0x59: {  	v62 =	vsub.f32 v10, v5;
	[tilespmem:s0+$0x8880] =	vst v8  }
0x5a: {  	[tilespmem:s0+$0xA880] =	vst v9  }
0x5b: {  	[tilespmem:s0+$0xC880] =	vst v62  }
0x5c: {  	v7 =	vld.idx.msk [tilespmem:v6+s2+$0x0], $0xffff  }
0x5d: {  	v8 =	vld.idx.msk [tilespmem:v6+s15+$0x0], $0xffff  }
0x5e: {  	v9 =	vld.idx.msk [tilespmem:v6+s16+$0x0], $0xffff  }
0x5f: {  	s28 =	sadd.s32 $0x1, s28  }
0x60: {  	p0 =	sne.s32 s28, $0x100  }
.Ltmp3:
0x61: {  	v3 =	vsub.f32 v7, v3;
	(pc) =	sbr.rel @!p0 .LBB2_21-.Ltmp3, $4  }
0x62: {  	[tilespmem:s0+$0x6890] =	vst v6;
	v63 =	vsub.f32 v8, v4  }
0x63: {  	[tilespmem:s0+$0x8890] =	vst v3;
	v3 =	vsub.f32 v9, v5  }
0x64: {  	[tilespmem:s0+$0xA890] =	vst v63  }
0x65: {  	[tilespmem:s0+$0xC890] =	vst v3  }
.LBB2_2:
0x66: {  	v3 =	vld.msk [tilespmem:s28+$0x6000 ss:$0x0], $0xffff  }
0x67: {  	v4 =	vld.msk [tilespmem:s28+$0x6180 ss:$0x0], $0xffff;
	v6 =	vimm.f32 $+Inf  }
0x68: {  	v5 =	vld.msk [tilespmem:s28+$0x6300 ss:$0x0], $0xffff;
	[tilespmem:$0x6480] =	vst v6  }
0x69: {  	[tilespmem:$0x6490] =	vst v6  }
0x6a: {  	[tilespmem:$0x64A0] =	vst v6  }
0x6b: {  	[tilespmem:$0x64B0] =	vst v6  }
0x6c: {  	[tilespmem:$0x64C0] =	vst v6  }
0x6d: {  	[tilespmem:$0x64D0] =	vst v6  }
0x6e: {  	[tilespmem:$0x64E0] =	vst v6  }
0x6f: {  	[tilespmem:$0x64F0] =	vst v6  }
0x70: {  	[tilespmem:$0x6500] =	vst v6  }
0x71: {  	[tilespmem:$0x6510] =	vst v6  }
0x72: {  	[tilespmem:$0x6520] =	vst v6  }
0x73: {  	[tilespmem:$0x6530] =	vst v6  }
0x74: {  	[tilespmem:$0x6540] =	vst v6  }
0x75: {  	[tilespmem:$0x6550] =	vst v6  }
0x76: {  	[tilespmem:$0x6560] =	vst v6  }
0x77: {  	[tilespmem:$0x6570] =	vst v6  }
0x78: {  	[tilespmem:$0x6580] =	vst v6  }
0x79: {  	[tilespmem:$0x6590] =	vst v6  }
0x7a: {  	[tilespmem:$0x65A0] =	vst v6  }
0x7b: {  	[tilespmem:$0x65B0] =	vst v6  }
0x7c: {  	[tilespmem:$0x65C0] =	vst v6  }
0x7d: {  	[tilespmem:$0x65D0] =	vst v6  }
0x7e: {  	[tilespmem:$0x65E0] =	vst v6  }
0x7f: {  	[tilespmem:$0x65F0] =	vst v6  }
0x80: {  	[tilespmem:$0x6600] =	vst v6  }
0x81: {  	[tilespmem:$0x6610] =	vst v6  }
0x82: {  	[tilespmem:$0x6620] =	vst v6  }
.Ltmp4:
0x83: {  	[tilespmem:$0x6630] =	vst v6;
	(pc) =	sbr.rel .LBB2_3-.Ltmp4, $4  }
0x84: {  	[tilespmem:$0x6640] =	vst v6  }
0x85: {  	[tilespmem:$0x6650] =	vst v6  }
0x86: {  	[tilespmem:$0x6660] =	vst v6  }
0x87: {  	s29 =	simm.s32 $0x0;
	v7 =	vimm.s32 $0x0;
	[tilespmem:$0x6670] =	vst v6  }
.LBB2_6:
0x88: {  	v13 =	vmov v10;
	v12 =	vmov v9  }
.LBB2_10:
0x89: {  	_ =	sdelay $0x4  }
0x8a: {  	v14, v15, _ =	vpop @p0 (xrf1)  }
0x8b: {  	v14 =	vperm.xlane @p0 v14, v6  }
0x8c: {  	v15 =	vperm.xlane @p0 v15, v6  }
0x8d: {  	vm0 =	vle.f32 @p0 v13, v14  }
0x8e: {  	v16 =	vsel @p0 vm0, v14, v13;
	v17 =	vsel @p0 vm0, v15, v12  }
0x8f: {  	(xrf1) =	vsort.ascd.msk.f32 @p0 $0xffff, v16, v17;
	_ =	sdelay $0xc  }
0x90: {  	v16, v17, _ =	vpop (xrf1)  }
0x91: {  	v16 =	vperm.xlane v16, v6;
	v18, v19, _ =	vpop @p0 (xrf1)  }
0x92: {  	v13 =	vsel @p0 vm0, v13, v14;
	v63 =	vperm.xlane v17, v6;
	v8 =	vpsel p0, v18, v8  }
0x93: {  	v12 =	vsel @p0 vm0, v12, v15;
	v11 =	vpsel p0, v19, v11;
	vm14 =	vle.f32 v8, v16  }
0x94: {  	(xrf1) =	vsort.ascd.msk.f32 @p0 $0xffff, v13, v12;
	v8 =	vsel vm14, v8, v16;
	v11 =	vsel vm14, v11, v63  }
0x95: {  	(xrf1) =	vsort.ascd.msk.f32 $0xffff, v8, v11;
	_ =	sdelay $0xc  }
0x96: {  	v8, v11, _ =	vpop @p0 (xrf1)  }
0x97: {  	v12, v13, _ =	vpop (xrf1)  }
0x98: {  	v12 =	vperm.xlane v12, v6  }
0x99: {  	v8 =	vpsel p0, v8, v10;
	v10 =	vperm.xlane v13, v6  }
0x9a: {  	v9 =	vpsel p0, v11, v9;
	vm15 =	vle.f32 v8, v12  }
0x9b: {  	v11 =	vsel vm15, v12, v8;
	v13 =	vsel vm15, v10, v9  }
0x9c: {  	v8 =	vsel vm15, v8, v12;
	v9 =	vsel vm15, v9, v10;
	(xrf1) =	vsort.ascd.msk.f32 $0xffff, v11, v13  }
0x9d: {  	(xrf1) =	vsort.ascd.msk.f32 $0xffff, v8, v9;
	_ =	sdelay $0xc  }
0x9e: {  	v8, v11, _ =	vpop (xrf1)  }
0x9f: {  	v10, v9, _ =	vpop (xrf1)  }
.LBB2_11:
0xa0: {  	[tilespmem:$0x6480] =	vst v10  }
0xa1: {  	[tilespmem:$0x6490] =	vst v8  }
0xa2: {  	[tilespmem:$0x6680] =	vst v9  }
0xa3: {  	[tilespmem:$0x6690] =	vst v11  }
0xa4: {  	[tilespmem:$0x64A0] =	vst v2  }
0xa5: {  	[tilespmem:$0x64B0] =	vst v2  }
0xa6: {  	[tilespmem:$0x64C0] =	vst v2  }
0xa7: {  	[tilespmem:$0x64D0] =	vst v2  }
0xa8: {  	[tilespmem:$0x64E0] =	vst v2  }
0xa9: {  	[tilespmem:$0x64F0] =	vst v2  }
0xaa: {  	[tilespmem:$0x6500] =	vst v2  }
0xab: {  	[tilespmem:$0x6510] =	vst v2  }
0xac: {  	[tilespmem:$0x6520] =	vst v2  }
0xad: {  	[tilespmem:$0x6530] =	vst v2  }
0xae: {  	[tilespmem:$0x6540] =	vst v2  }
0xaf: {  	[tilespmem:$0x6550] =	vst v2  }
0xb0: {  	[tilespmem:$0x6560] =	vst v2  }
0xb1: {  	[tilespmem:$0x6570] =	vst v2  }
0xb2: {  	[tilespmem:$0x6580] =	vst v2  }
0xb3: {  	[tilespmem:$0x6590] =	vst v2  }
0xb4: {  	[tilespmem:$0x65A0] =	vst v2  }
0xb5: {  	[tilespmem:$0x65B0] =	vst v2  }
0xb6: {  	[tilespmem:$0x65C0] =	vst v2  }
0xb7: {  	[tilespmem:$0x65D0] =	vst v2  }
0xb8: {  	[tilespmem:$0x65E0] =	vst v2  }
0xb9: {  	[tilespmem:$0x65F0] =	vst v2  }
0xba: {  	[tilespmem:$0x6600] =	vst v2  }
0xbb: {  	[tilespmem:$0x6610] =	vst v2  }
0xbc: {  	[tilespmem:$0x6620] =	vst v2  }
0xbd: {  	[tilespmem:$0x6630] =	vst v2;
	v6 =	vperm.xlane v8, v6  }
0xbe: {  	[tilespmem:$0x6640] =	vst v2  }
0xbf: {  	[tilespmem:$0x6650] =	vst v2;
	v6 =	vadd.f32 $0.0e+00, v6  }
0xc0: {  	[tilespmem:$0x6660] =	vst v2  }
0xc1: {  	[tilespmem:$0x6670] =	vst v2;
	v6 =	vbroadcast v6, $0x0  }
.LBB2_12:
0xc2: {  	s29 =	sadd.s32 $0x1, s29  }
0xc3: {  	p1 =	sne.s32 s29, $0x20  }
.Ltmp5:
0xc4: {  	_ = 	snop;
	(pc) =	sbr.rel @!p1 .LBB2_13-.Ltmp5, $3  }
0xc5: {  	_ =	sdelay $0x1  }
0xc6: {  	p0 =	sgt.s32 s30, $0xFF  }
0xc7: {  	v7 =	vpsel p0, $0x20, v7  }
.LBB2_3:
0xc8: {  	s30 =	sshll.u32 s29, $0x8  }
0xc9: {  	v8 =	vld [tilespmem:s30+$0x0]  }
0xca: {  	v9 =	vld [tilespmem:s30+$0x2000]  }
0xcb: {  	v10 =	vld [tilespmem:s30+$0x4000]  }
0xcc: {  	v11 =	vld [tilespmem:s30+$0x10]  }
0xcd: {  	v12 =	vld [tilespmem:s30+$0x2010]  }
0xce: {  	v13 =	vld [tilespmem:s30+$0x4010]  }
0xcf: {  	v14 =	vld [tilespmem:s30+$0x20]  }
0xd0: {  	v15 =	vld [tilespmem:s30+$0x2020]  }
0xd1: {  	v16 =	vld [tilespmem:s30+$0x4020]  }
0xd2: {  	v17 =	vld [tilespmem:s30+$0x30]  }
0xd3: {  	v18 =	vld [tilespmem:s30+$0x2030]  }
0xd4: {  	v58 =	vld [tilespmem:s30+$0x4030]  }
0xd5: {  	v19 =	vld [tilespmem:s30+$0x40]  }
0xd6: {  	v60 =	vld [tilespmem:s30+$0x2040];
	v8 =	vsub.f32 v8, v3  }
0xd7: {  	v21 =	vld [tilespmem:s30+$0x50];
	v9 =	vsub.f32 v9, v4;
	v10 =	vsub.f32 v10, v5  }
0xd8: {  	v28 =	vld [tilespmem:s30+$0x4050];
	v11 =	vsub.f32 v11, v3;
	v12 =	vsub.f32 v12, v4  }
0xd9: {  	v30 =	vld [tilespmem:s30+$0x2060];
	v57 =	vsub.f32 v13, v5;
	v14 =	vsub.f32 v14, v3  }
0xda: {  	v22 =	vld [tilespmem:s30+$0x70];
	v59 =	vsub.f32 v15, v4;
	v17 =	vsub.f32 v17, v3  }
0xdb: {  	v23 =	vld [tilespmem:s30+$0x2070];
	v18 =	vsub.f32 v18, v4;
	v63 =	vsub.f32 v16, v5  }
0xdc: {  	v36 =	vld [tilespmem:s30+$0x2080];
	v27 =	vsub.f32 v19, v3;
	v15 =	vsub.f32 v60, v4  }
0xdd: {  	v39 =	vld [tilespmem:s30+$0x4080];
	v13 =	vsub.f32 v58, v5;
	v21 =	vsub.f32 v21, v3  }
0xde: {  	v51 =	vld [tilespmem:s30+$0xB0];
	v33 =	vsub.f32 v28, v5;
	v35 =	vsub.f32 v30, v4;
	v8 =	vmul.f32 v8, v8  }
0xdf: {  	v62 =	vld [tilespmem:s30+$0x4040];
	v37 =	vsub.f32 v22, v3;
	v9 =	vmul.f32 v9, v9;
	v56 =	vmul.f32 v10, v10  }
0xe0: {  	v29 =	vld [tilespmem:s30+$0x60];
	v38 =	vsub.f32 v23, v4;
	v11 =	vmul.f32 v11, v11;
	v12 =	vmul.f32 v12, v12  }
0xe1: {  	v24 =	vld [tilespmem:s30+$0x2050];
	v19 =	vsub.f32 v36, v4;
	v10 =	vmul.f32 v57, v57;
	v61 =	vmul.f32 v14, v14  }
0xe2: {  	v32 =	vld [tilespmem:s30+$0x4070];
	v50 =	vsub.f32 v39, v5;
	v20 =	vmul.f32 v59, v59;
	v25 =	vmul.f32 v17, v17  }
0xe3: {  	v43 =	vld [tilespmem:s30+$0x4090];
	v22 =	vsub.f32 v51, v3;
	v26 =	vmul.f32 v18, v18;
	v18 =	vmul.f32 v27, v27  }
0xe4: {  	v28 =	vld [tilespmem:s30+$0xD0];
	v14 =	vsub.f32 v62, v5;
	v15 =	vmul.f32 v15, v15;
	v13 =	vmul.f32 v13, v13  }
0xe5: {  	v48 =	vld [tilespmem:s30+$0x20A0];
	v21 =	vmul.f32 v21, v21;
	v17 =	vsub.f32 v29, v3;
	v19 =	vmul.f32 v19, v19  }
0xe6: {  	v49 =	vld [tilespmem:s30+$0x40A0];
	v54 =	vmul.f32 v50, v50;
	v8 =	vadd.f32 v9, v8;
	v11 =	vadd.f32 v12, v11  }
0xe7: {  	v27 =	vld [tilespmem:s30+$0xC0];
	v60 =	vmul.f32 v22, v22;
	v12 =	vadd.f32 v20, v61;
	v16 =	vadd.f32 v26, v25  }
0xe8: {  	v57 =	vld [tilespmem:s30+$0x20C0];
	v15 =	vadd.f32 v15, v18;
	v17 =	vmul.f32 v17, v17;
	v25 =	vsub.f32 v32, v5  }
0xe9: {  	v62 =	vld [tilespmem:s30+$0x40D0];
	v18 =	vmul.f32 v35, v35;
	v28 =	vsub.f32 v28, v3;
	v8 =	vadd.f32 v56, v8  }
0xea: {  	v31 =	vmul.f32 v14, v14;
	v9 =	vadd.f32 v10, v11;
	v11 =	vsub.f32 v24, v4  }
0xeb: {  	v34 =	vld [tilespmem:s30+$0x80];
	v20 =	vmul.f32 v37, v37;
	v42 =	vadd.f32 v18, v17;
	v17 =	vsub.f32 v43, v5  }
0xec: {  	v53 =	vld [tilespmem:s30+$0x20B0];
	v10 =	vmul.f32 v63, v63;
	v56 =	vsub.f32 v48, v4;
	v18 =	vsub.f32 v49, v5  }
0xed: {  	v26 =	vld [tilespmem:s30+$0x2090];
	v46 =	vmul.f32 v25, v25;
	v27 =	vsub.f32 v27, v3;
	v23 =	vsub.f32 v57, v4  }
0xee: {  	v37 =	vmul.f32 v28, v28;
	v39 =	vsub.f32 v62, v5;
	v14 =	vadd.f32 v10, v12  }
0xef: {  	v41 =	vld [tilespmem:s30+$0x90];
	v11 =	vmul.f32 v11, v11;
	v12 =	vadd.f32 v13, v16;
	v10 =	vadd.f32 v31, v15  }
0xf0: {  	v24 =	vld [tilespmem:s30+$0x4060];
	vm7 =	vlt.f32 v8, v6;
	vm4 =	vlt.f32 v9, v6;
	v15 =	vmul.f32 v33, v33  }
0xf1: {  	v30 =	vld [tilespmem:s30+$0x40E0];
	v16 =	vsub.f32 v34, v3;
	v17 =	vmul.f32 v17, v17;
	v18 =	vmul.f32 v18, v18  }
0xf2: {  	v63 =	vld [tilespmem:s30+$0x20E0];
	v52 =	vsub.f32 v26, v4;
	v26 =	vsub.f32 v53, v4;
	v27 =	vmul.f32 v27, v27  }
0xf3: {  	v23 =	vmul.f32 v23, v23;
	v43 =	vsel vm7, $0x1, v0;
	v11 =	vadd.f32 v11, v21  }
0xf4: {  	v47 =	vld [tilespmem:s30+$0xA0];
	v21 =	vmul.f32 v38, v38;
	vm8 =	vlt.f32 v14, v6;
	vm6 =	vlt.f32 v12, v6  }
0xf5: {  	v55 =	vld [tilespmem:s30+$0x40B0];
	vm1 =	vlt.f32 v10, v6;
	v16 =	vmul.f32 v16, v16;
	v40 =	vsub.f32 v24, v5  }
0xf6: {  	v24 =	vsub.f32 v41, v3;
	v25 =	vmul.f32 v52, v52;
	v34 =	vadd.f32 v23, v27  }
0xf7: {  	v29 =	vld [tilespmem:s30+$0xE0];
	v61 =	vmul.f32 v26, v26;
	v22 =	vsub.f32 v63, v4;
	v41 =	vsub.f32 v30, v5  }
0xf8: {  	v23 =	vmul.f32 v39, v39;
	v48 =	vsel vm1, $0x1, v0;
	v13 =	vadd.f32 v15, v11  }
0xf9: {  	v58 =	vld [tilespmem:s30+$0x40C0];
	v62 =	vmpcnt.ones.xlane vm8;
	v45 =	vadd.f32 v21, v20;
	v16 =	vadd.f32 v19, v16  }
0xfa: {  	v32 =	vld [tilespmem:s30+$0xF0];
	v21 =	vsub.f32 v47, v3;
	v19 =	vmul.f32 v56, v56;
	v20 =	vsub.f32 v55, v5  }
0xfb: {  	v38 =	vld [tilespmem:s30+$0x40F0];
	v47 =	vsel vm6, $0x1, v0;
	v44 =	vmul.f32 v40, v40;
	v24 =	vmul.f32 v24, v24  }
0xfc: {  	v40 =	vsub.f32 v29, v3;
	v22 =	vmul.f32 v22, v22;
	v11 =	vadd.f32 v46, v45  }
0xfd: {  	vm0 =	vlt.f32 v13, v6;
	v16 =	vadd.f32 v54, v16;
	v21 =	vmul.f32 v21, v21  }
0xfe: {  	v31 =	vmul.f32 v20, v20;
	v45 =	vsel vm4, $0x1, v0;
	v15 =	vadd.f32 v44, v42  }
0xff: {  	v59 =	vld [tilespmem:s30+$0x20D0];
	v46 =	vsel vm8, $0x1, v0;
	v24 =	vadd.f32 v25, v24;
	v25 =	vsub.f32 v58, v5  }
0x100: {  	v36 =	vld [tilespmem:s30+$0x20F0];
	v42 =	vsub.f32 v32, v3;
	v27 =	vsub.f32 v38, v5;
	v44 =	vmul.f32 v41, v41  }
0x101: {  	(xrf0) =	vadd.scan.msk.s32 $0xffff, v43;
	v49 =	vsel vm0, $0x1, v0;
	v58 =	vmpcnt.ones.xlane vm7;
	v41 =	vmpcnt.ones.xlane vm0  }
0x102: {  	s0 =	sor.u32 $0x10, s30;
	(xrf0) =	vadd.scan.msk.s32 $0xffff, v45;
	vm5 =	vlt.f32 v11, v6;
	v19 =	vadd.f32 v19, v21;
	vm3 =	vlt.f32 v16, v6  }
0x103: {  	v21 =	vadd.f32 v61, v60;
	(xrf0) =	vadd.scan.msk.s32 $0xffff, v46;
	v61 =	vmpcnt.ones.xlane vm4;
	v46 =	vor.u32 s0, v1  }
0x104: {  	vm2 =	vlt.f32 v15, v6;
	v17 =	vadd.f32 v17, v24;
	v24 =	vsub.f32 v59, v4  }
0x105: {  	v35 =	vmul.f32 v25, v25;
	v25 =	vsub.f32 v36, v4;
	v28 =	vmul.f32 v42, v42  }
0x106: {  	v27 =	vmul.f32 v27, v27;
	v51 =	vsel vm5, $0x1, v0;
	v52 =	vsel vm3, $0x1, v0  }
0x107: {  	v36 =	vmpcnt.ones.xlane vm5;
	v20 =	vadd.f32 v18, v19;
	v19 =	vadd.f32 v31, v21  }
0x108: {  	(xrf0) =	vadd.scan.msk.s32 $0xffff, v47;
	v50 =	vsel vm2, $0x1, v0;
	v43 =	vmpcnt.ones.xlane vm2;
	v24 =	vmul.f32 v24, v24  }
0x109: {  	s1 =	sor.u32 $0x20, s30;
	(xrf0) =	vadd.scan.msk.s32 $0xffff, v48;
	vm11 =	vlt.f32 v17, v6;
	v18 =	vadd.f32 v35, v34;
	v25 =	vmul.f32 v25, v25  }
0x10a: {  	(xrf0) =	vadd.scan.msk.s32 $0xffff, v49;
	v34 =	vmpcnt.ones.xlane vm1;
	v49 =	vor.u32 s1, v1;
	vm10 =	vlt.f32 v20, v6  }
0x10b: {  	vm9 =	vlt.f32 v19, v6;
	v53 =	vsel vm11, $0x1, v0;
	v45 =	vmpcnt.ones.xlane vm11  }
0x10c: {  	v21 =	vadd.f32 v24, v37;
	v24 =	vmul.f32 v40, v40;
	v25 =	vadd.f32 v25, v28  }
0x10d: {  	v55, _, _ =	vpop (xrf0);
	vm15 =	vlt.f32 v18, v6;
	v54 =	vsel vm10, $0x1, v0;
	v56 =	vsel vm9, $0x1, v0  }
0x10e: {  	v28 =	vadd.s32 v55, v7;
	v7 =	vadd.s32 v7, v58;
	v40 =	vmpcnt.ones.xlane vm6  }
0x10f: {  	s1 =	sor.u32 $0x40, s30;
	(xrf0) =	vadd.scan.msk.s32 $0xffff, v50;
	v59, _, _ =	vpop (xrf0);
	v37 =	vmpcnt.ones.xlane vm10;
	v47 =	vmpcnt.ones.xlane vm9;
	v28 =	vadd.s32 $0xFFFFFFFF, v28  }
0x110: {  	(xrf0) =	vadd.scan.msk.s32 $0xffff, v51;
	v58 =	vor.u32 s1, v1;
	v57 =	vsel vm15, $0x1, v0;
	v31 =	vadd.s32 v7, v59  }
0x111: {  	(xrf0) =	vadd.scan.msk.s32 $0xffff, v52;
	v33, _, _ =	vpop (xrf0);
	v7 =	vadd.s32 v61, v7;
	v52 =	vmpcnt.ones.xlane vm15;
	v31 =	vadd.s32 $0xFFFFFFFF, v31  }
0x112: {  	v22 =	vadd.f32 v22, v24;
	v23 =	vadd.f32 v23, v21;
	v33 =	vadd.s32 v7, v33  }
0x113: {  	v21 =	vadd.f32 v27, v25;
	v63, _, _ =	vpop (xrf0);
	v7 =	vadd.s32 v62, v7;
	v33 =	vadd.s32 $0xFFFFFFFF, v33  }
0x114: {  	(xrf0) =	vadd.scan.msk.s32 $0xffff, v53;
	v30 =	vadd.s32 v7, v63;
	[tilespmem:v28+s20+$0x0] =	vst.idx.msk vm7, v8;
	v8 =	vor.u32 s30, v1  }
0x115: {  	s31 =	sor.u32 $0x30, s30;
	(xrf0) =	vadd.scan.msk.s32 $0xffff, v54;
	v35, _, _ =	vpop (xrf0);
	v7 =	vadd.s32 v40, v7;
	[tilespmem:v28+s21+$0x0] =	vst.idx.msk vm7, v8;
	v8 =	vadd.s32 $0xFFFFFFFF, v30  }
0x116: {  	v54 =	vor.u32 s31, v1;
	v27 =	vadd.s32 v7, v35;
	v7 =	vadd.s32 v34, v7;
	[tilespmem:v31+s20+$0x0] =	vst.idx.msk vm4, v9  }
0x117: {  	v22 =	vadd.f32 v44, v22;
	v42, _, _ =	vpop (xrf0);
	v48 =	vadd.s32 $0xFFFFFFFF, v27;
	v25 =	vadd.s32 v41, v7;
	[tilespmem:v31+s21+$0x0] =	vst.idx.msk vm4, v46  }
0x118: {  	v44 =	vmpcnt.ones.xlane vm3;
	v7 =	vadd.s32 v7, v42;
	v50 =	vadd.s32 v43, v25;
	[tilespmem:v33+s20+$0x0] =	vst.idx.msk vm8, v14  }
0x119: {  	vm14 =	vlt.f32 v23, v6;
	v51, _, _ =	vpop (xrf0);
	v7 =	vadd.s32 $0xFFFFFFFF, v7;
	v53 =	vadd.s32 v36, v50;
	[tilespmem:v33+s21+$0x0] =	vst.idx.msk vm8, v49  }
0x11a: {  	(xrf0) =	vadd.scan.msk.s32 $0xffff, v56;
	v25 =	vadd.s32 v25, v51;
	v24 =	vadd.s32 v44, v53;
	[tilespmem:v8+s20+$0x0] =	vst.idx.msk vm6, v12  }
0x11b: {  	s31 =	sor.u32 $0x50, s30;
	(xrf0) =	vadd.scan.msk.s32 $0xffff, v57;
	v57 =	vadd.s32 v45, v24;
	[tilespmem:v8+s21+$0x0] =	vst.idx.msk vm6, v54;
	v8 =	vadd.s32 $0xFFFFFFFF, v25  }
0x11c: {  	vm12 =	vlt.f32 v21, v6;
	v32 =	vor.u32 s31, v1;
	v26 =	vadd.s32 v37, v57;
	[tilespmem:v48+s20+$0x0] =	vst.idx.msk vm1, v10  }
0x11d: {  	v56 =	vmpcnt.ones.xlane vm14;
	vm13 =	vlt.f32 v22, v6;
	v63 =	vadd.s32 v47, v26;
	[tilespmem:v48+s21+$0x0] =	vst.idx.msk vm1, v58  }
0x11e: {  	v60 =	vsel vm14, $0x1, v0;
	v61 =	vmpcnt.ones.xlane vm13;
	v33 =	vadd.s32 v52, v63;
	[tilespmem:v7+s20+$0x0] =	vst.idx.msk vm0, v13  }
0x11f: {  	s1 =	sor.u32 $0x60, s30;
	v35 =	vmpcnt.ones.xlane vm12;
	v55, _, _ =	vpop (xrf0);
	v37 =	vadd.s32 v56, v33;
	[tilespmem:v7+s21+$0x0] =	vst.idx.msk vm0, v32  }
0x120: {  	v59 =	vadd.s32 v50, v55;
	v39 =	vadd.s32 v61, v37;
	v7 =	vor.u32 s1, v1;
	[tilespmem:v8+s20+$0x0] =	vst.idx.msk vm2, v15  }
0x121: {  	(xrf0) =	vadd.scan.msk.s32 $0xffff, v60;
	v60, _, _ =	vpop (xrf0);
	v62 =	vadd.s32 $0xFFFFFFFF, v59;
	[tilespmem:v8+s21+$0x0] =	vst.idx.msk vm2, v7;
	v7 =	vadd.s32 v35, v39  }
0x122: {  	v14 =	vadd.s32 v53, v60;
	(v2sf) =	vpush v7, $0x0  }
0x123: {  	v34, _, _ =	vpop (xrf0);
	v36 =	vadd.s32 $0xFFFFFFFF, v14  }
0x124: {  	v38 =	vadd.s32 v24, v34  }
0x125: {  	s31 =	sor.u32 $0x70, s30;
	v40, _, _ =	vpop (xrf0);
	v8 =	vadd.s32 $0xFFFFFFFF, v38  }
0x126: {  	v42 =	vor.u32 s31, v1;
	v41 =	vsel vm13, $0x1, v0;
	v12 =	vadd.s32 v57, v40;
	[tilespmem:v62+s20+$0x0] =	vst.idx.msk vm5, v11  }
0x127: {  	v43, _, _ =	vpop (xrf0);
	(xrf0) =	vadd.scan.msk.s32 $0xffff, v41;
	v44 =	vadd.s32 $0xFFFFFFFF, v12;
	s1 =	sor.u32 $0x80, s30;
	[tilespmem:v62+s21+$0x0] =	vst.idx.msk vm5, v42  }
0x128: {  	v45 =	vsel vm12, $0x1, v0;
	v46 =	vor.u32 s1, v1;
	v15 =	vadd.s32 v26, v43;
	[tilespmem:v36+s20+$0x0] =	vst.idx.msk vm3, v16  }
0x129: {  	s31 =	sor.u32 $0x90, s30;
	v47, _, _ =	vpop (xrf0);
	(xrf0) =	vadd.scan.msk.s32 $0xffff, v45;
	v48 =	vadd.s32 $0xFFFFFFFF, v15;
	[tilespmem:v36+s21+$0x0] =	vst.idx.msk vm3, v46  }
0x12a: {  	v49 =	vor.u32 s31, v1;
	v10 =	vadd.s32 v63, v47;
	[tilespmem:v8+s20+$0x0] =	vst.idx.msk vm11, v17  }
0x12b: {  	v50, _, _ =	vpop (xrf0);
	s1 =	sor.u32 $0xA0, s30;
	[tilespmem:v8+s21+$0x0] =	vst.idx.msk vm11, v49;
	v8 =	vadd.s32 $0xFFFFFFFF, v10  }
0x12c: {  	v52 =	vadd.s32 v33, v50;
	v51 =	vor.u32 s1, v1;
	[tilespmem:v44+s20+$0x0] =	vst.idx.msk vm10, v20  }
0x12d: {  	s31 =	sor.u32 $0xB0, s30;
	v54 =	vadd.s32 $0xFFFFFFFF, v52;
	v53, _, _ =	vpop (xrf0);
	[tilespmem:v44+s21+$0x0] =	vst.idx.msk vm10, v51  }
0x12e: {  	v55 =	vor.u32 s31, v1;
	v56 =	vadd.s32 v37, v53;
	[tilespmem:v48+s20+$0x0] =	vst.idx.msk vm9, v19  }
0x12f: {  	v57, _, _ =	vpop (xrf0);
	s1 =	sor.u32 $0xC0, s30;
	v58 =	vadd.s32 $0xFFFFFFFF, v56;
	[tilespmem:v48+s21+$0x0] =	vst.idx.msk vm9, v55  }
0x130: {  	s31 =	sor.u32 $0xD0, s30;
	v60 =	vadd.s32 v39, v57;
	v59 =	vor.u32 s1, v1;
	[tilespmem:v8+s20+$0x0] =	vst.idx.msk vm15, v18  }
0x131: {  	v61 =	vor.u32 s31, v1;
	s31 =	sor.u32 $0xF0, s30;
	s1 =	sor.u32 $0xE0, s30;
	[tilespmem:v8+s21+$0x0] =	vst.idx.msk vm15, v59;
	v8 =	vadd.s32 $0xFFFFFFFF, v60;
	s30 =	spop (v2sf)  }
0x132: {  	[tilespmem:v54+s20+$0x0] =	vst.idx.msk vm14, v23;
	p0 =	slt.s32 s30, $0x100  }
.Ltmp6:
0x133: {  	[tilespmem:v54+s21+$0x0] =	vst.idx.msk vm14, v61;
	(pc) =	sbr.rel @p0 .LBB2_12-.Ltmp6, $4  }
0x134: {  	v62 =	vor.u32 s1, v1;
	[tilespmem:v58+s20+$0x0] =	vst.idx.msk vm13, v22  }
0x135: {  	[tilespmem:v58+s21+$0x0] =	vst.idx.msk vm13, v62  }
0x136: {  	v63 =	vor.u32 s31, v1;
	[tilespmem:v8+s20+$0x0] =	vst.idx.msk vm12, v21  }
0x137: {  	[tilespmem:v8+s21+$0x0] =	vst.idx.msk vm12, v63  }
0x138: {  	v6 =	vld [tilespmem:$0x6480]  }
0x139: {  	v8 =	vld [tilespmem:$0x6680]  }
0x13a: {  	v9 =	vld [tilespmem:$0x6490]  }
0x13b: {  	v10 =	vld [tilespmem:$0x6690];
	_ =	sdelay $0x3  }
0x13c: {  	(xrf1) =	vsort.ascd.msk.f32 $0xffff, v6, v8  }
0x13d: {  	(xrf1) =	vsort.ascd.msk.f32 $0xffff, v9, v10;
	_ =	sdelay $0xb  }
0x13e: {  	v6 =	vmul.u32 $0xFFFFFFFF, v1  }
0x13f: {  	v8, v9, _ =	vpop (xrf1)  }
0x140: {  	v6 =	vadd.s32 $0xF, v6;
	v10, v11, _ =	vpop (xrf1)  }
0x141: {  	v10 =	vperm.xlane v10, v6  }
0x142: {  	v11 =	vperm.xlane v11, v6  }
0x143: {  	vm0 =	vle.f32 v8, v10  }
0x144: {  	v12 =	vsel vm0, v8, v10;
	v13 =	vsel vm0, v9, v11  }
0x145: {  	v8 =	vsel vm0, v10, v8;
	v9 =	vsel vm0, v11, v9;
	(xrf1) =	vsort.ascd.msk.f32 $0xffff, v12, v13  }
0x146: {  	(xrf1) =	vsort.ascd.msk.f32 $0xffff, v8, v9;
	_ =	sdelay $0x7  }
0x147: {  	s0 =	sadd.s32 $0xF, s30  }
0x148: {  	p0 =	slt.s32 s0, $0x30  }
.Ltmp7:
0x149: {  	_ = 	snop;
	(pc) =	sbr.rel @p0 .LBB2_11-.Ltmp7, $3  }
0x14a: {  	_ =	sdelay $0x1  }
0x14b: {  	v10, v9, _ =	vpop (xrf1)  }
0x14c: {  	v8, v11, _ =	vpop (xrf1)  }
0x14d: {  	s1 =	simm.s32 $0x64A0;
	s0 =	sshrl.u32 s0, $0x4  }
0x14e: {  	s31 =	simm.s32 $0x66A0;
	v12 =	vld [tilespmem:s1+$0x0];
	s0 =	sadd.s32 $0xFFFFFFFE, s0  }
0x14f: {  	v13 =	vld [tilespmem:s31+$0x0];
	p1 =	sne.s32 s0, $0x1  }
.Ltmp8:
0x150: {  	_ = 	snop;
	(pc) =	sbr.rel @!p1 .LBB2_6-.Ltmp8, $2  }
0x151: {  	_ =	sdelay $0x2  }
0x152: {  	p0 =	por $0x0, $0x0;
	s1 =	sadd.s32 $0xFFFFFFFF, s0;
	(xrf1) =	vsort.ascd.msk.f32 $0xffff, v12, v13  }
0x153: {  	_ =	sdelay $0xc  }
0x154: {  	v12, v13, _ =	vpop (xrf1)  }
0x155: {  	v12 =	vperm.xlane v12, v6  }
0x156: {  	v13 =	vperm.xlane v13, v6  }
0x157: {  	vm0 =	vle.f32 v8, v12  }
0x158: {  	v12 =	vsel vm0, v8, v12;
	v13 =	vsel vm0, v11, v13  }
0x159: {  	s31 =	simm.s32 $0x64B0;
	(xrf1) =	vsort.ascd.msk.f32 $0xffff, v12, v13  }
0x15a: {  	s0 =	simm.s32 $0x66B0;
	v14 =	vld [tilespmem:s31+$0x0]  }
0x15b: {  	v15 =	vld [tilespmem:s0+$0x0]  }
0x15c: {  	p1 =	sne.s32 s1, $0x1  }
.Ltmp9:
0x15d: {  	_ = 	snop;
	(pc) =	sbr.rel @!p1 .LBB2_8-.Ltmp9, $3  }
0x15e: {  	_ =	sdelay $0x1  }
0x15f: {  	(xrf1) =	vsort.ascd.msk.f32 $0xffff, v14, v15  }
0x160: {  	s1 =	sadd.s32 $0xFFFFFFFF, s1;
	p0 =	por $0x1, $0x1;
	v13 =	vmov v10;
	v12 =	vmov v9  }
.LBB2_9:
0x161: {  	p1 =	sne.s32 s1, $0x1;
	s1 =	sadd.s32 $0xFFFFFFFF, s1;
	_ =	sdelay $0x8  }
0x162: {  	v14, v15, _ =	vpop (xrf1)  }
0x163: {  	v14 =	vperm.xlane v14, v6  }
0x164: {  	v15 =	vperm.xlane v15, v6  }
0x165: {  	v16, v17, _ =	vpop (xrf1);
	vm0 =	vle.f32 v13, v14  }
0x166: {  	v16 =	vperm.xlane v16, v6;
	v18 =	vsel vm0, v14, v13;
	v19 =	vsel vm0, v15, v12  }
0x167: {  	v13 =	vsel vm0, v13, v14;
	v12 =	vsel vm0, v12, v15;
	(xrf1) =	vsort.ascd.msk.f32 $0xffff, v18, v19  }
0x168: {  	(xrf1) =	vsort.ascd.msk.f32 $0xffff, v13, v12;
	_ =	sdelay $0xb  }
0x169: {  	s31 =	sadd.s32 $0x10, s31  }
0x16a: {  	s0 =	sadd.s32 $0x10, s0;
	v15 =	vperm.xlane v17, v6;
	v14 =	vld [tilespmem:s31+$0x0];
	v18, v17, _ =	vpop (xrf1)  }
0x16b: {  	v19 =	vld [tilespmem:s0+$0x0];
	vm0 =	vle.f32 v18, v16;
	v13, v12, _ =	vpop (xrf1)  }
.Ltmp10:
0x16c: {  	v16 =	vsel vm0, v18, v16;
	v15 =	vsel vm0, v17, v15;
	(pc) =	sbr.rel @p1 .LBB2_9-.Ltmp10, $2  }
0x16d: {  	(xrf1) =	vsort.ascd.msk.f32 $0xffff, v16, v15;
	_ =	sdelay $0x2  }
0x16e: {  	(xrf1) =	vsort.ascd.msk.f32 $0xffff, v14, v19  }
.Ltmp11:
0x16f: {  	_ = 	snop;
	(pc) =	sbr.rel .LBB2_10-.Ltmp11, $1  }
0x170: {  	_ =	sdelay $0x3  }
.LBB2_8:
.Ltmp12:
0x171: {  	(pc) =	sbr.rel .LBB2_10-.Ltmp12, $2  }
0x172: {  	_ =	sdelay $0x2  }
0x173: {  	v13 =	vmov v10;
	v12 =	vmov v9  }
.LBB2_13:
0x174: {  	v6 =	vld [tilespmem:$0x6480]  }
0x175: {  	v8 =	vld [tilespmem:$0x6680]  }
0x176: {  	v9 =	vld [tilespmem:$0x6490]  }
0x177: {  	v10 =	vld [tilespmem:$0x6690];
	_ =	sdelay $0x3  }
0x178: {  	(xrf1) =	vsort.ascd.msk.f32 $0xffff, v6, v8  }
0x179: {  	(xrf1) =	vsort.ascd.msk.f32 $0xffff, v9, v10;
	_ =	sdelay $0xb  }
0x17a: {  	(v2sf) =	vpush v7, $0x0;
	v6 =	vmul.u32 $0xFFFFFFFF, v1  }
0x17b: {  	v9, v10, _ =	vpop (xrf1)  }
0x17c: {  	v8 =	vadd.s32 $0xF, v6;
	v11, v12, _ =	vpop (xrf1)  }
0x17d: {  	v6 =	vperm.xlane v11, v8  }
0x17e: {  	v7 =	vperm.xlane v12, v8  }
0x17f: {  	vm0 =	vle.f32 v9, v6  }
0x180: {  	v11 =	vsel vm0, v9, v6;
	v12 =	vsel vm0, v10, v7  }
0x181: {  	v6 =	vsel vm0, v6, v9;
	v7 =	vsel vm0, v7, v10;
	(xrf1) =	vsort.ascd.msk.f32 $0xffff, v11, v12  }
0x182: {  	(xrf1) =	vsort.ascd.msk.f32 $0xffff, v6, v7;
	_ =	sdelay $0x6  }
0x183: {  	s0 =	spop (v2sf)  }
0x184: {  	s0 =	sadd.s32 $0xF, s0  }
0x185: {  	p0 =	slt.s32 s0, $0x30  }
.Ltmp13:
0x186: {  	_ = 	snop;
	(pc) =	sbr.rel @p0 .LBB2_20-.Ltmp13, $3  }
0x187: {  	_ =	sdelay $0x1  }
0x188: {  	v9, v7, _ =	vpop (xrf1)  }
0x189: {  	v10, v6, _ =	vpop (xrf1)  }
0x18a: {  	s1 =	simm.s32 $0x64A0;
	s0 =	sshrl.u32 s0, $0x4  }
0x18b: {  	s29 =	simm.s32 $0x66A0;
	v11 =	vld [tilespmem:s1+$0x0];
	s0 =	sadd.s32 $0xFFFFFFFE, s0  }
0x18c: {  	v12 =	vld [tilespmem:s29+$0x0];
	p1 =	sne.s32 s0, $0x1  }
.Ltmp14:
0x18d: {  	_ = 	snop;
	(pc) =	sbr.rel @!p1 .LBB2_15-.Ltmp14, $2  }
0x18e: {  	_ =	sdelay $0x2  }
0x18f: {  	p0 =	por $0x0, $0x0;
	s1 =	sadd.s32 $0xFFFFFFFF, s0;
	(xrf1) =	vsort.ascd.msk.f32 $0xffff, v11, v12  }
0x190: {  	_ =	sdelay $0xc  }
0x191: {  	v11, v12, _ =	vpop (xrf1)  }
0x192: {  	v11 =	vperm.xlane v11, v8  }
0x193: {  	v12 =	vperm.xlane v12, v8  }
0x194: {  	vm0 =	vle.f32 v10, v11  }
0x195: {  	v11 =	vsel vm0, v10, v11;
	v12 =	vsel vm0, v6, v12  }
0x196: {  	s29 =	simm.s32 $0x64B0;
	(xrf1) =	vsort.ascd.msk.f32 $0xffff, v11, v12  }
0x197: {  	s0 =	simm.s32 $0x66B0;
	v13 =	vld [tilespmem:s29+$0x0]  }
0x198: {  	v14 =	vld [tilespmem:s0+$0x0]  }
0x199: {  	p1 =	sne.s32 s1, $0x1  }
.Ltmp15:
0x19a: {  	_ = 	snop;
	(pc) =	sbr.rel @!p1 .LBB2_17-.Ltmp15, $3  }
0x19b: {  	_ =	sdelay $0x1  }
0x19c: {  	(xrf1) =	vsort.ascd.msk.f32 $0xffff, v13, v14  }
0x19d: {  	s1 =	sadd.s32 $0xFFFFFFFF, s1;
	p0 =	por $0x1, $0x1;
	v12 =	vmov v9;
	v11 =	vmov v7  }
.LBB2_18:
0x19e: {  	p1 =	sne.s32 s1, $0x1;
	s1 =	sadd.s32 $0xFFFFFFFF, s1;
	_ =	sdelay $0x8  }
0x19f: {  	v13, v14, _ =	vpop (xrf1)  }
0x1a0: {  	v13 =	vperm.xlane v13, v8  }
0x1a1: {  	v14 =	vperm.xlane v14, v8  }
0x1a2: {  	v15, v16, _ =	vpop (xrf1);
	vm0 =	vle.f32 v12, v13  }
0x1a3: {  	v15 =	vperm.xlane v15, v8;
	v17 =	vsel vm0, v13, v12;
	v18 =	vsel vm0, v14, v11  }
0x1a4: {  	v12 =	vsel vm0, v12, v13;
	v11 =	vsel vm0, v11, v14;
	(xrf1) =	vsort.ascd.msk.f32 $0xffff, v17, v18  }
0x1a5: {  	(xrf1) =	vsort.ascd.msk.f32 $0xffff, v12, v11;
	_ =	sdelay $0xb  }
0x1a6: {  	s29 =	sadd.s32 $0x10, s29  }
0x1a7: {  	s0 =	sadd.s32 $0x10, s0;
	v14 =	vperm.xlane v16, v8;
	v13 =	vld [tilespmem:s29+$0x0];
	v16, v17, _ =	vpop (xrf1)  }
0x1a8: {  	v18 =	vld [tilespmem:s0+$0x0];
	vm0 =	vle.f32 v16, v15;
	v12, v11, _ =	vpop (xrf1)  }
.Ltmp16:
0x1a9: {  	v15 =	vsel vm0, v16, v15;
	v14 =	vsel vm0, v17, v14;
	(pc) =	sbr.rel @p1 .LBB2_18-.Ltmp16, $2  }
0x1aa: {  	(xrf1) =	vsort.ascd.msk.f32 $0xffff, v15, v14;
	_ =	sdelay $0x2  }
0x1ab: {  	(xrf1) =	vsort.ascd.msk.f32 $0xffff, v13, v18  }
.Ltmp17:
0x1ac: {  	_ = 	snop;
	(pc) =	sbr.rel .LBB2_19-.Ltmp17, $1  }
0x1ad: {  	_ =	sdelay $0x3  }
.LBB2_17:
.Ltmp18:
0x1ae: {  	(pc) =	sbr.rel .LBB2_19-.Ltmp18, $2  }
0x1af: {  	_ =	sdelay $0x2  }
0x1b0: {  	v12 =	vmov v9;
	v11 =	vmov v7  }
.LBB2_22:
0x1b1: {  	_ =	sfence.sel $0x180000  }
0x1b2: {  	[bflag:$0x0] =	sbarrier.arrive $0xFFFF  }
0x1b3: {  	_ =	strace $0x90000047  }
0x1b4: {  	s0 =	stileid.u32;
	[bflag:$0x2] =	sbarrier.arrive $0xFFFF  }
0x1b5: {  	p0 =	sne.s32 s0, $0x0;
	s0 =	rddreg [dreg:$0x3]  }
0x1b6: {  	s0 =	sadd.s32 @!p0 $0x100000, s0  }
0x1b7: {  	[sflag:s0] =	ssyncadd.tile.s32 @!p0 $0x1;
	_ =	shalt  }
.Lfunc_end2:
_tile_overlayer_lowered:
.L_overlay_start_2:
0x1b8: {  	(tag) =	ssettag $0x2  }
0x1b9: {  	s0 =	rddreg [dreg:$0x0];
	s2 =	stileid.u32  }
0x1ba: {  	s1 =	rddreg [dreg:$0x1];
	p0 =	sne.s32 s2, $0x0  }
0x1bb: {  	s3 =	rddreg [dreg:$0x2];
	[bflag:$0x3] =	sbarrier.arrive $0xFFFF;
	s2 =	simm.s32 @!p0 $0x1C01  }
0x1bc: {  	[timem:s3], [sflag:s2] =	dma.local @!p0 [hbm:s0], s1  }
0x1bd: {  	s0 =	simm.s32 @!p0 $0x1  }
0x1be: {  	_ =	swait.ge @!p0 [sflag:s0], s1  }
0x1bf: {  	s1 =	ssub.s32 @!p0 $0x0, s1;
	[sflag:s0] =	ssyncset.done @!p0 $0x0  }
0x1c0: {  	[sflag:s0] =	ssyncadd.s32 @!p0 s1  }
0x1c1: {  	[bflag:$0x3] =	sbarrier.arrive $0xFFFF  }
0x1c2: {  	_ =	shalt  }

</sc_bundles>
